<compile_context>
chip_gen: v7x
topology: tpu7x:2x2x1
jax: 0.10.2.dev20260603
libtpu: 0.0.44.dev20260713+nightly
codegen_flags: <defaults>
</compile_context>

<pallas_src>
import functools

import jax
import jax.numpy as jnp
from jax import lax
from jax.experimental import pallas as pl
from jax.experimental.pallas import tpu as pltpu
from jax.experimental.pallas import tpu_sc as plsc

_INV_C = 0.9999950000374997

NC = 2
NS = 16
CH = 128


def _node_body(x_ref, pos_ref, lsW_ref, ldW_ref, lW_ref, pW1_ref,
               td_ref, ts_ref, tv_ref):
    xb = x_ref[...]
    p = jnp.dot(pos_ref[...], pW1_ref[...], preferred_element_type=jnp.float32)
    a_dst = jnp.dot(xb, ldW_ref[...], preferred_element_type=jnp.float32)
    a_src = jnp.dot(xb, lsW_ref[...], preferred_element_type=jnp.float32)
    v = jnp.dot(xb, lW_ref[...], preferred_element_type=jnp.float32)
    u32 = jnp.uint32
    half = jnp.uint32(0x8000)
    hi = jnp.uint32(0xFFFF0000)
    pb = lax.bitcast_convert_type(p, u32) + half
    adb = lax.bitcast_convert_type(a_dst, u32) + half
    asb = lax.bitcast_convert_type(a_src, u32) + half
    td_ref[...] = (pb >> 16) | (adb & hi)
    ts_ref[...] = (pb >> 16) | (asb & hi)
    tv_ref[...] = v


def _edge_body(u1_ref, u2_ref, uv_ref, pW2_ref, pb1_ref, pb2_ref,
               aW1_ref, ab1_ref, aW2_ref, ab2_ref, p_ref, w_ref):
    u1 = u1_ref[...]
    u2 = u2_ref[...]
    hi = jnp.uint32(0xFFFF0000)
    unb = lambda t: lax.bitcast_convert_type(t, jnp.float32)
    gp = unb(u1 << 16) - unb(u2 << 16)
    ga = unb(u1 & hi) - unb(u2 & hi)
    vg = uv_ref[...]
    h1 = jax.nn.relu((gp + pb1_ref[...]) * _INV_C)
    delta = jax.nn.relu(
        (jnp.dot(h1, pW2_ref[...], preferred_element_type=jnp.float32)
         + pb2_ref[...]) * _INV_C)
    q = ga + delta
    t = jax.nn.relu(
        (jnp.dot(q, aW1_ref[...], preferred_element_type=jnp.float32)
         + ab1_ref[...]) * _INV_C)
    alpha = jax.nn.relu(
        (jnp.dot(t, aW2_ref[...], preferred_element_type=jnp.float32)
         + ab2_ref[...]) * _INV_C)
    p = jnp.exp(alpha)
    w = p * (vg + delta)
    p_ref[...] = p
    w_ref[...] = w


def _final_body(acc_ref, s_ref, x_ref, upW_ref, upb_ref, o_ref):
    r = acc_ref[...] / (s_ref[...] + 1e-16)
    o_ref[...] = (jnp.dot(r, upW_ref[...], preferred_element_type=jnp.float32)
                  + upb_ref[...] + x_ref[...])


def _make_gather(e_pad, np_):
    t_g = e_pad // (NC * NS)
    n_chunks = t_g // CH
    mesh = plsc.VectorSubcoreMesh(core_axis_name="c", subcore_axis_name="s",
                                  num_cores=NC, num_subcores=NS)

    @functools.partial(
        pl.kernel,
        out_type=(jax.ShapeDtypeStruct((e_pad, 128), jnp.uint32),
                  jax.ShapeDtypeStruct((e_pad, 128), jnp.uint32),
                  jax.ShapeDtypeStruct((e_pad, 128), jnp.float32)),
        mesh=mesh,
        scratch_types=[
            pltpu.VMEM((CH,), jnp.int32),
            pltpu.VMEM((CH,), jnp.int32),
            pltpu.VMEM((CH, 128), jnp.uint32),
            pltpu.VMEM((CH, 128), jnp.uint32),
            pltpu.VMEM((CH, 128), jnp.float32),
            pltpu.SemaphoreType.DMA,
            pltpu.SemaphoreType.DMA,
            pltpu.SemaphoreType.DMA,
        ],
    )
    def gather(dst_hbm, src_hbm, td_hbm, ts_hbm, tv_hbm, u1_hbm, u2_hbm,
               uv_hbm, dsti, srci, tdbuf, tsbuf, tvbuf, sem1, sem2, sem3):
        wid = lax.axis_index("s") * NC + lax.axis_index("c")
        base = wid * t_g

        def chunk(k, carry):
            off = base + k * CH
            pltpu.sync_copy(dst_hbm.at[pl.ds(off, CH)], dsti)
            pltpu.sync_copy(src_hbm.at[pl.ds(off, CH)], srci)
            cp1 = pltpu.async_copy(td_hbm.at[dsti], tdbuf, sem1)
            cp2 = pltpu.async_copy(ts_hbm.at[srci], tsbuf, sem2)
            cp3 = pltpu.async_copy(tv_hbm.at[srci], tvbuf, sem3)
            cp1.wait()
            cp2.wait()
            cp3.wait()
            pltpu.sync_copy(tdbuf, u1_hbm.at[pl.ds(off, CH)])
            pltpu.sync_copy(tsbuf, u2_hbm.at[pl.ds(off, CH)])
            pltpu.sync_copy(tvbuf, uv_hbm.at[pl.ds(off, CH)])
            return carry

        lax.fori_loop(0, n_chunks, chunk, 0)

    return gather


def _make_scatter(e_pad, np_):
    chs = 2 * CH
    t_s = e_pad // NS
    n_chunks = t_s // chs
    rows = np_ // NS
    n_row_chunks = rows // CH
    mesh = plsc.VectorSubcoreMesh(core_axis_name="c", subcore_axis_name="s",
                                  num_cores=NC, num_subcores=NS)

    @functools.partial(
        pl.kernel,
        out_type=(jax.ShapeDtypeStruct((np_, 128), jnp.float32),
                  jax.ShapeDtypeStruct((np_, 128), jnp.float32)),
        mesh=mesh,
        scratch_types=[
            pltpu.VMEM((chs,), jnp.int32),
            pltpu.VMEM((chs, 128), jnp.float32),
            pltpu.VMEM_SHARED((np_, 128), jnp.float32),
        ],
    )
    def scatter(dst_hbm, w_hbm, p_hbm, zero_hbm, acc_hbm, s_hbm,
                idxv, buf, acc_sh):
        c = lax.axis_index("c")
        sid = lax.axis_index("s")

        pltpu.sync_copy(zero_hbm, buf.at[pl.ds(0, CH)])
        for j in range(n_row_chunks):
            pltpu.sync_copy(buf.at[pl.ds(0, CH)],
                            acc_sh.at[pl.ds(sid * rows + j * CH, CH)])
        plsc.subcore_barrier()

        def chunk(k, carry):
            off = sid * t_s + k * chs
            pltpu.sync_copy(dst_hbm.at[pl.ds(off, chs)], idxv)

            @pl.when(c == 0)
            def _():
                pltpu.sync_copy(w_hbm.at[pl.ds(off, chs)], buf)

            @pl.when(c == 1)
            def _():
                pltpu.sync_copy(p_hbm.at[pl.ds(off, chs)], buf)

            pltpu.sync_copy(buf, acc_sh.at[idxv], add=True)
            return carry

        lax.fori_loop(0, n_chunks, chunk, 0)
        plsc.subcore_barrier()

        def rb(j, carry):
            r0 = sid * rows + j * CH
            pltpu.sync_copy(acc_sh.at[pl.ds(r0, CH)], buf.at[pl.ds(0, CH)])

            @pl.when(c == 0)
            def _():
                pltpu.sync_copy(buf.at[pl.ds(0, CH)],
                                acc_hbm.at[pl.ds(r0, CH)])

            @pl.when(c == 1)
            def _():
                pltpu.sync_copy(buf.at[pl.ds(0, CH)],
                                s_hbm.at[pl.ds(r0, CH)])

            return carry

        lax.fori_loop(0, n_row_chunks, rb, 0)

    return scatter


def kernel(x, pos, edge_index, lin_W, lin_src_W, lin_dst_W,
           pos_W1, pos_b1, pos_W2, pos_b2,
           attn_W1, attn_b1, attn_W2, attn_b2, up_W, up_b):
    n, d = x.shape
    e = edge_index.shape[1]
    nb = 512
    np_ = ((n + 2047) // 2048) * 2048
    e1 = e + n
    tile_e = (-(-e1 // (NC * NS * CH))) * CH
    e_pad = tile_e * NC * NS

    f32 = jnp.float32
    x_pad = jnp.zeros((np_, d), f32).at[:n].set(x)
    pos_pad = jnp.zeros((np_, 8), f32).at[:n, :3].set(pos)
    pW1_pad = jnp.zeros((8, d), f32).at[:3].set(pos_W1)

    loop = jnp.arange(n, dtype=edge_index.dtype)
    pad_e = e_pad - e1
    src_pad = jnp.concatenate(
        [edge_index[0], loop, jnp.zeros((pad_e,), edge_index.dtype)])
    dst_pad = jnp.concatenate(
        [edge_index[1], loop, jnp.full((pad_e,), n, edge_index.dtype)])

    grid_n = np_ // nb
    td, ts, tv = pl.pallas_call(
        _node_body,
        grid=(grid_n,),
        in_specs=[
            pl.BlockSpec((nb, d), lambda i: (i, 0)),
            pl.BlockSpec((nb, 8), lambda i: (i, 0)),
            pl.BlockSpec((d, d), lambda i: (0, 0)),
            pl.BlockSpec((d, d), lambda i: (0, 0)),
            pl.BlockSpec((d, d), lambda i: (0, 0)),
            pl.BlockSpec((8, d), lambda i: (0, 0)),
        ],
        out_specs=[
            pl.BlockSpec((nb, d), lambda i: (i, 0)),
            pl.BlockSpec((nb, d), lambda i: (i, 0)),
            pl.BlockSpec((nb, d), lambda i: (i, 0)),
        ],
        out_shape=[
            jax.ShapeDtypeStruct((np_, d), jnp.uint32),
            jax.ShapeDtypeStruct((np_, d), jnp.uint32),
            jax.ShapeDtypeStruct((np_, d), f32),
        ],
    )(x_pad, pos_pad, lin_src_W, lin_dst_W, lin_W, pW1_pad)

    u1, u2, uv = _make_gather(e_pad, np_)(dst_pad, src_pad, td, ts, tv)

    eb = 512
    grid_e = e_pad // eb
    vec = lambda b: b.reshape(1, d)
    p_t, w_t = pl.pallas_call(
        _edge_body,
        grid=(grid_e,),
        in_specs=[
            pl.BlockSpec((eb, d), lambda i: (i, 0)),
            pl.BlockSpec((eb, d), lambda i: (i, 0)),
            pl.BlockSpec((eb, d), lambda i: (i, 0)),
            pl.BlockSpec((d, d), lambda i: (0, 0)),
            pl.BlockSpec((1, d), lambda i: (0, 0)),
            pl.BlockSpec((1, d), lambda i: (0, 0)),
            pl.BlockSpec((d, d), lambda i: (0, 0)),
            pl.BlockSpec((1, d), lambda i: (0, 0)),
            pl.BlockSpec((d, d), lambda i: (0, 0)),
            pl.BlockSpec((1, d), lambda i: (0, 0)),
        ],
        out_specs=[
            pl.BlockSpec((eb, d), lambda i: (i, 0)),
            pl.BlockSpec((eb, d), lambda i: (i, 0)),
        ],
        out_shape=[
            jax.ShapeDtypeStruct((e_pad, d), f32),
            jax.ShapeDtypeStruct((e_pad, d), f32),
        ],
    )(u1, u2, uv, pos_W2, vec(pos_b1), vec(pos_b2),
      attn_W1, vec(attn_b1), attn_W2, vec(attn_b2))

    zeros_chunk = jnp.zeros((CH, d), f32)
    acc, s = _make_scatter(e_pad, np_)(dst_pad, w_t, p_t, zeros_chunk)

    out_pad = pl.pallas_call(
        _final_body,
        grid=(grid_n,),
        in_specs=[
            pl.BlockSpec((nb, d), lambda i: (i, 0)),
            pl.BlockSpec((nb, d), lambda i: (i, 0)),
            pl.BlockSpec((nb, d), lambda i: (i, 0)),
            pl.BlockSpec((d, d), lambda i: (0, 0)),
            pl.BlockSpec((1, d), lambda i: (0, 0)),
        ],
        out_specs=pl.BlockSpec((nb, d), lambda i: (i, 0)),
        out_shape=jax.ShapeDtypeStruct((np_, d), f32),
    )(acc, s, x_pad, up_W, up_b.reshape(1, d))

    return out_pad[:n]

# --- scband reference (transcript-rebuilt; emitter-appended) ---
"""Pipeline reference for scband-point-trans-layer-23673859735698 (READ-ONLY COPY).

The authoritative reference and input builder live on the scoring server;
editing this copy changes nothing except your own understanding.
"""

import jax, jax.numpy as jnp
import numpy as np

N = 10000
E = 320000
D = 128
EPS = 1e-5

def _mlp2(x, W1, b1, W2, b2):
    # PyG MLP with plain_last=False: Linear -> BatchNorm -> ReLU per layer.
    # BatchNorm in eval mode with fresh init (mean=0, var=1, gamma=1, beta=0)
    # reduces to x / sqrt(1 + eps).
    h = x @ W1 + b1
    h = h / jnp.sqrt(1.0 + EPS)
    h = jax.nn.relu(h)
    h = h @ W2 + b2
    h = h / jnp.sqrt(1.0 + EPS)
    return jax.nn.relu(h)


def setup_inputs(seed: int = 0) -> dict:
    key = jax.random.key(seed)
    ks = jax.random.split(key, 20)
    def w(k, shape, fan_in):
        lim = 1.0 / np.sqrt(fan_in)
        return jax.random.uniform(k, shape, jnp.float32, -lim, lim)
    inp = {}
    inp['x'] = jax.random.normal(ks[0], (N, D), jnp.float32)
    inp['pos'] = jax.random.normal(ks[1], (N, 3), jnp.float32)
    inp['edge_index'] = jax.random.randint(ks[2], (2, E), 0, N, jnp.int32)
    # PointTransformerConv linears (bias=False in PyG); stored as [in, out]
    inp['lin_W'] = w(ks[3], (D, D), D)
    inp['lin_src_W'] = w(ks[4], (D, D), D)
    inp['lin_dst_W'] = w(ks[5], (D, D), D)
    # pos_nn: MLP(3 -> D -> D)
    inp['pos_W1'] = w(ks[6], (3, D), 3)
    inp['pos_b1'] = w(ks[7], (D,), 3)
    inp['pos_W2'] = w(ks[8], (D, D), D)
    inp['pos_b2'] = w(ks[9], (D,), D)
    # attn_nn: MLP(D -> D -> D)
    inp['attn_W1'] = w(ks[10], (D, D), D)
    inp['attn_b1'] = w(ks[11], (D,), D)
    inp['attn_W2'] = w(ks[12], (D, D), D)
    inp['attn_b2'] = w(ks[13], (D,), D)
    # linear_up: Linear(D, D) with bias
    inp['up_W'] = w(ks[14], (D, D), D)
    inp['up_b'] = w(ks[15], (D,), D)
    return inp


def reference(x, pos, edge_index, lin_W, lin_src_W, lin_dst_W,
              pos_W1, pos_b1, pos_W2, pos_b2,
              attn_W1, attn_b1, attn_W2, attn_b2,
              up_W, up_b):
    n = x.shape[0]
    # per-node projections
    a_src = x @ lin_src_W
    a_dst = x @ lin_dst_W
    v = x @ lin_W
    # add_self_loops=True (PyG default for PointTransformerConv)
    loop = jnp.arange(n, dtype=edge_index.dtype)
    src = jnp.concatenate([edge_index[0], loop])
    dst = jnp.concatenate([edge_index[1], loop])
    # message: delta = pos_nn(pos_i - pos_j)
    delta = _mlp2(pos[dst] - pos[src], pos_W1, pos_b1, pos_W2, pos_b2)
    alpha = a_dst[dst] - a_src[src] + delta
    alpha = _mlp2(alpha, attn_W1, attn_b1, attn_W2, attn_b2)
    # segment softmax over destination nodes
    m = jax.ops.segment_max(alpha, dst, num_segments=n)
    alpha = jnp.exp(alpha - m[dst])
    s = jax.ops.segment_sum(alpha, dst, num_segments=n)
    alpha = alpha / (s[dst] + 1e-16)
    # aggregate: sum_j alpha * (lin(x_j) + delta)
    out = jax.ops.segment_sum(alpha * (v[src] + delta), dst, num_segments=n)
    # linear_up + residual
    out = out @ up_W + up_b
    return out + x

if __name__ == "__main__":
    import jax
    _d = setup_inputs()
    print(jax.jit(kernel)(*tuple(_d.values())))

</pallas_src>

<mosaic_0001>
#map = affine_map<(d0, d1) -> (0)>
#map1 = affine_map<(d0, d1) -> (0, 0)>
module attributes {stable_mosaic.version = 14 : i64} {
  func.func @gather(%arg0: i32, %arg1: i32, %arg2: memref<331776xi32, #tpu.memory_space<hbm>>, %arg3: memref<331776xi32, #tpu.memory_space<hbm>>, %arg4: memref<10240x128xi32, #tpu.memory_space<hbm>>, %arg5: memref<10240x128xi32, #tpu.memory_space<hbm>>, %arg6: memref<10240x128xf32, #tpu.memory_space<hbm>>, %arg7: memref<331776x128xi32, #tpu.memory_space<hbm>>, %arg8: memref<331776x128xi32, #tpu.memory_space<hbm>>, %arg9: memref<331776x128xf32, #tpu.memory_space<hbm>>, %arg10: memref<128xi32, #tpu.memory_space<vmem>>, %arg11: memref<128xi32, #tpu.memory_space<vmem>>, %arg12: memref<128x128xi32, #tpu.memory_space<vmem>>, %arg13: memref<128x128xi32, #tpu.memory_space<vmem>>, %arg14: memref<128x128xf32, #tpu.memory_space<vmem>>, %arg15: memref<!tpu.dma_semaphore, #tpu.memory_space<semaphore_mem>>, %arg16: memref<!tpu.dma_semaphore, #tpu.memory_space<semaphore_mem>>, %arg17: memref<!tpu.dma_semaphore, #tpu.memory_space<semaphore_mem>>) attributes {dimension_semantics = [#tpu.dimension_semantics<core_parallel>, #tpu.dimension_semantics<subcore_parallel>], iteration_bounds = array<i64: 2, 16>, scalar_prefetch = 0 : i64, scratch_operands = 8 : i64, tpu.core_type = #tpu.core_type<sc_vector_subcore>, window_params = [{transform_indices = #map}, {transform_indices = #map}, {transform_indices = #map1}, {transform_indices = #map1}, {transform_indices = #map1}, {transform_indices = #map1}, {transform_indices = #map1}, {transform_indices = #map1}]} {
    %mul3A = arith.constant 2 : i32
    %mul3A_0 = arith.muli %arg1, %mul3A : i32
    %add3A = arith.addi %mul3A_0, %arg0 : i32
    %mul3A_1 = arith.constant 10368 : i32
    %mul3A_2 = arith.muli %add3A, %mul3A_1 : i32
    %scan3A = arith.constant 0 : i32
    %scan3A_3 = arith.constant 0 : i32
    %scan3A_4 = arith.constant 81 : i32
    %scan3A_5 = arith.addi %scan3A_3, %scan3A_4 : i32
    %scan3A_6 = arith.constant 1 : i32
    scf.for %scan3A_8 = %scan3A_3 to %scan3A_5 step %scan3A_6  : i32 {
      %mul3A_9 = arith.constant 128 : i32
      %mul3A_10 = arith.muli %scan3A_8, %mul3A_9 : i32
      %add3A_11 = arith.addi %mul3A_2, %mul3A_10 : i32
      "tpu.region"() ({
        %run_scoped3A = tpu.sem_alloc : memref<!tpu.dma_semaphore, #tpu.memory_space<semaphore_mem>>
        %dma_start3A_28 = tpu.memref_slice %arg2[%add3A_11] : memref<331776xi32, #tpu.memory_space<hbm>> -> memref<128xi32, #tpu.memory_space<hbm>>
        %dma_start3A_29 = tpu.memref_slice %arg2[%add3A_11] : memref<331776xi32, #tpu.memory_space<hbm>> -> memref<128xi32, #tpu.memory_space<hbm>>
        tpu.enqueue_dma source(%dma_start3A_29 : memref<128xi32, #tpu.memory_space<hbm>>) target(%arg10 : memref<128xi32, #tpu.memory_space<vmem>>) target_semaphore(%run_scoped3A : memref<!tpu.dma_semaphore, #tpu.memory_space<semaphore_mem>>)
        %dma_wait3A_30 = tpu.memref_slice %arg2[%add3A_11] : memref<331776xi32, #tpu.memory_space<hbm>> -> memref<128xi32, #tpu.memory_space<hbm>>
        %dma_wait3A_31 = tpu.memref_slice %arg2[%add3A_11] : memref<331776xi32, #tpu.memory_space<hbm>> -> memref<128xi32, #tpu.memory_space<hbm>>
        tpu.wait_dma2 semaphore(%run_scoped3A : memref<!tpu.dma_semaphore, #tpu.memory_space<semaphore_mem>>) src(%dma_wait3A_31 : memref<128xi32, #tpu.memory_space<hbm>>) dst(%arg10 : memref<128xi32, #tpu.memory_space<vmem>>)
        tpu.yield
      }) : () -> ()
      "tpu.region"() ({
        %run_scoped3A = tpu.sem_alloc : memref<!tpu.dma_semaphore, #tpu.memory_space<semaphore_mem>>
        %dma_start3A_28 = tpu.memref_slice %arg3[%add3A_11] : memref<331776xi32, #tpu.memory_space<hbm>> -> memref<128xi32, #tpu.memory_space<hbm>>
        %dma_start3A_29 = tpu.memref_slice %arg3[%add3A_11] : memref<331776xi32, #tpu.memory_space<hbm>> -> memref<128xi32, #tpu.memory_space<hbm>>
        tpu.enqueue_dma source(%dma_start3A_29 : memref<128xi32, #tpu.memory_space<hbm>>) target(%arg11 : memref<128xi32, #tpu.memory_space<vmem>>) target_semaphore(%run_scoped3A : memref<!tpu.dma_semaphore, #tpu.memory_space<semaphore_mem>>)
        %dma_wait3A_30 = tpu.memref_slice %arg3[%add3A_11] : memref<331776xi32, #tpu.memory_space<hbm>> -> memref<128xi32, #tpu.memory_space<hbm>>
        %dma_wait3A_31 = tpu.memref_slice %arg3[%add3A_11] : memref<331776xi32, #tpu.memory_space<hbm>> -> memref<128xi32, #tpu.memory_space<hbm>>
        tpu.wait_dma2 semaphore(%run_scoped3A : memref<!tpu.dma_semaphore, #tpu.memory_space<semaphore_mem>>) src(%dma_wait3A_31 : memref<128xi32, #tpu.memory_space<hbm>>) dst(%arg11 : memref<128xi32, #tpu.memory_space<vmem>>)
        tpu.yield
      }) : () -> ()
      %dma_start3A = arith.constant 0 : i32
      %dma_start3A_12 = arith.constant 0 : i32
      %dma_start3A_13 = tpu.memref_slice %arg4[%dma_start3A, %dma_start3A_12] : memref<10240x128xi32, #tpu.memory_space<hbm>> -> memref<10240x128xi32, #tpu.memory_space<hbm>>
      tpu.enqueue_indirect_dma source(%dma_start3A_13 : memref<10240x128xi32, #tpu.memory_space<hbm>>) target(%arg12 : memref<128x128xi32, #tpu.memory_space<vmem>>) offsets(%arg10 : memref<128xi32, #tpu.memory_space<vmem>>) semaphore(%arg15 : memref<!tpu.dma_semaphore, #tpu.memory_space<semaphore_mem>>)
      %dma_start3A_14 = arith.constant 0 : i32
      %dma_start3A_15 = arith.constant 0 : i32
      %dma_start3A_16 = tpu.memref_slice %arg5[%dma_start3A_14, %dma_start3A_15] : memref<10240x128xi32, #tpu.memory_space<hbm>> -> memref<10240x128xi32, #tpu.memory_space<hbm>>
      tpu.enqueue_indirect_dma source(%dma_start3A_16 : memref<10240x128xi32, #tpu.memory_space<hbm>>) target(%arg13 : memref<128x128xi32, #tpu.memory_space<vmem>>) offsets(%arg11 : memref<128xi32, #tpu.memory_space<vmem>>) semaphore(%arg16 : memref<!tpu.dma_semaphore, #tpu.memory_space<semaphore_mem>>)
      %dma_start3A_17 = arith.constant 0 : i32
      %dma_start3A_18 = arith.constant 0 : i32
      %dma_start3A_19 = tpu.memref_slice %arg6[%dma_start3A_17, %dma_start3A_18] : memref<10240x128xf32, #tpu.memory_space<hbm>> -> memref<10240x128xf32, #tpu.memory_space<hbm>>
      tpu.enqueue_indirect_dma source(%dma_start3A_19 : memref<10240x128xf32, #tpu.memory_space<hbm>>) target(%arg14 : memref<128x128xf32, #tpu.memory_space<vmem>>) offsets(%arg11 : memref<128xi32, #tpu.memory_space<vmem>>) semaphore(%arg17 : memref<!tpu.dma_semaphore, #tpu.memory_space<semaphore_mem>>)
      %dma_wait3A = arith.constant 0 : i32
      %dma_wait3A_20 = arith.constant 0 : i32
      %dma_wait3A_21 = tpu.memref_slice %arg4[%dma_wait3A, %dma_wait3A_20] : memref<10240x128xi32, #tpu.memory_space<hbm>> -> memref<10240x128xi32, #tpu.memory_space<hbm>>
      tpu.wait_indirect_dma semaphore(%arg15 : memref<!tpu.dma_semaphore, #tpu.memory_space<semaphore_mem>>) src(%dma_wait3A_21 : memref<10240x128xi32, #tpu.memory_space<hbm>>) dst(%arg12 : memref<128x128xi32, #tpu.memory_space<vmem>>)
      %dma_wait3A_22 = arith.constant 0 : i32
      %dma_wait3A_23 = arith.constant 0 : i32
      %dma_wait3A_24 = tpu.memref_slice %arg5[%dma_wait3A_22, %dma_wait3A_23] : memref<10240x128xi32, #tpu.memory_space<hbm>> -> memref<10240x128xi32, #tpu.memory_space<hbm>>
      tpu.wait_indirect_dma semaphore(%arg16 : memref<!tpu.dma_semaphore, #tpu.memory_space<semaphore_mem>>) src(%dma_wait3A_24 : memref<10240x128xi32, #tpu.memory_space<hbm>>) dst(%arg13 : memref<128x128xi32, #tpu.memory_space<vmem>>)
      %dma_wait3A_25 = arith.constant 0 : i32
      %dma_wait3A_26 = arith.constant 0 : i32
      %dma_wait3A_27 = tpu.memref_slice %arg6[%dma_wait3A_25, %dma_wait3A_26] : memref<10240x128xf32, #tpu.memory_space<hbm>> -> memref<10240x128xf32, #tpu.memory_space<hbm>>
      tpu.wait_indirect_dma semaphore(%arg17 : memref<!tpu.dma_semaphore, #tpu.memory_space<semaphore_mem>>) src(%dma_wait3A_27 : memref<10240x128xf32, #tpu.memory_space<hbm>>) dst(%arg14 : memref<128x128xf32, #tpu.memory_space<vmem>>)
      "tpu.region"() ({
        %run_scoped3A = tpu.sem_alloc : memref<!tpu.dma_semaphore, #tpu.memory_space<semaphore_mem>>
        %dma_start3A_28 = arith.constant 0 : i32
        %dma_start3A_29 = tpu.memref_slice %arg7[%add3A_11, %dma_start3A_28] : memref<331776x128xi32, #tpu.memory_space<hbm>> -> memref<128x128xi32, #tpu.memory_space<hbm>>
        %dma_start3A_30 = arith.constant 0 : i32
        %dma_start3A_31 = tpu.memref_slice %arg7[%add3A_11, %dma_start3A_30] : memref<331776x128xi32, #tpu.memory_space<hbm>> -> memref<128x128xi32, #tpu.memory_space<hbm>>
        tpu.enqueue_dma source(%arg12 : memref<128x128xi32, #tpu.memory_space<vmem>>) target(%dma_start3A_31 : memref<128x128xi32, #tpu.memory_space<hbm>>) target_semaphore(%run_scoped3A : memref<!tpu.dma_semaphore, #tpu.memory_space<semaphore_mem>>)
        %dma_wait3A_32 = arith.constant 0 : i32
        %dma_wait3A_33 = tpu.memref_slice %arg7[%add3A_11, %dma_wait3A_32] : memref<331776x128xi32, #tpu.memory_space<hbm>> -> memref<128x128xi32, #tpu.memory_space<hbm>>
        %dma_wait3A_34 = arith.constant 0 : i32
        %dma_wait3A_35 = tpu.memref_slice %arg7[%add3A_11, %dma_wait3A_34] : memref<331776x128xi32, #tpu.memory_space<hbm>> -> memref<128x128xi32, #tpu.memory_space<hbm>>
        tpu.wait_dma2 semaphore(%run_scoped3A : memref<!tpu.dma_semaphore, #tpu.memory_space<semaphore_mem>>) src(%arg12 : memref<128x128xi32, #tpu.memory_space<vmem>>) dst(%dma_wait3A_35 : memref<128x128xi32, #tpu.memory_space<hbm>>)
        tpu.yield
      }) : () -> ()
      "tpu.region"() ({
        %run_scoped3A = tpu.sem_alloc : memref<!tpu.dma_semaphore, #tpu.memory_space<semaphore_mem>>
        %dma_start3A_28 = arith.constant 0 : i32
        %dma_start3A_29 = tpu.memref_slice %arg8[%add3A_11, %dma_start3A_28] : memref<331776x128xi32, #tpu.memory_space<hbm>> -> memref<128x128xi32, #tpu.memory_space<hbm>>
        %dma_start3A_30 = arith.constant 0 : i32
        %dma_start3A_31 = tpu.memref_slice %arg8[%add3A_11, %dma_start3A_30] : memref<331776x128xi32, #tpu.memory_space<hbm>> -> memref<128x128xi32, #tpu.memory_space<hbm>>
        tpu.enqueue_dma source(%arg13 : memref<128x128xi32, #tpu.memory_space<vmem>>) target(%dma_start3A_31 : memref<128x128xi32, #tpu.memory_space<hbm>>) target_semaphore(%run_scoped3A : memref<!tpu.dma_semaphore, #tpu.memory_space<semaphore_mem>>)
        %dma_wait3A_32 = arith.constant 0 : i32
        %dma_wait3A_33 = tpu.memref_slice %arg8[%add3A_11, %dma_wait3A_32] : memref<331776x128xi32, #tpu.memory_space<hbm>> -> memref<128x128xi32, #tpu.memory_space<hbm>>
        %dma_wait3A_34 = arith.constant 0 : i32
        %dma_wait3A_35 = tpu.memref_slice %arg8[%add3A_11, %dma_wait3A_34] : memref<331776x128xi32, #tpu.memory_space<hbm>> -> memref<128x128xi32, #tpu.memory_space<hbm>>
        tpu.wait_dma2 semaphore(%run_scoped3A : memref<!tpu.dma_semaphore, #tpu.memory_space<semaphore_mem>>) src(%arg13 : memref<128x128xi32, #tpu.memory_space<vmem>>) dst(%dma_wait3A_35 : memref<128x128xi32, #tpu.memory_space<hbm>>)
        tpu.yield
      }) : () -> ()
      "tpu.region"() ({
        %run_scoped3A = tpu.sem_alloc : memref<!tpu.dma_semaphore, #tpu.memory_space<semaphore_mem>>
        %dma_start3A_28 = arith.constant 0 : i32
        %dma_start3A_29 = tpu.memref_slice %arg9[%add3A_11, %dma_start3A_28] : memref<331776x128xf32, #tpu.memory_space<hbm>> -> memref<128x128xf32, #tpu.memory_space<hbm>>
        %dma_start3A_30 = arith.constant 0 : i32
        %dma_start3A_31 = tpu.memref_slice %arg9[%add3A_11, %dma_start3A_30] : memref<331776x128xf32, #tpu.memory_space<hbm>> -> memref<128x128xf32, #tpu.memory_space<hbm>>
        tpu.enqueue_dma source(%arg14 : memref<128x128xf32, #tpu.memory_space<vmem>>) target(%dma_start3A_31 : memref<128x128xf32, #tpu.memory_space<hbm>>) target_semaphore(%run_scoped3A : memref<!tpu.dma_semaphore, #tpu.memory_space<semaphore_mem>>)
        %dma_wait3A_32 = arith.constant 0 : i32
        %dma_wait3A_33 = tpu.memref_slice %arg9[%add3A_11, %dma_wait3A_32] : memref<331776x128xf32, #tpu.memory_space<hbm>> -> memref<128x128xf32, #tpu.memory_space<hbm>>
        %dma_wait3A_34 = arith.constant 0 : i32
        %dma_wait3A_35 = tpu.memref_slice %arg9[%add3A_11, %dma_wait3A_34] : memref<331776x128xf32, #tpu.memory_space<hbm>> -> memref<128x128xf32, #tpu.memory_space<hbm>>
        tpu.wait_dma2 semaphore(%run_scoped3A : memref<!tpu.dma_semaphore, #tpu.memory_space<semaphore_mem>>) src(%arg14 : memref<128x128xf32, #tpu.memory_space<vmem>>) dst(%dma_wait3A_35 : memref<128x128xf32, #tpu.memory_space<hbm>>)
        tpu.yield
      }) : () -> ()
    }
    %scan3A_7 = arith.constant 81 : i32
    return
  }
}

#map = affine_map<(d0, d1) -> (0)>
#map1 = affine_map<(d0, d1) -> (0, 0)>
module attributes {stable_mosaic.version = 14 : i64} {
  func.func @scatter(%arg0: i32, %arg1: i32, %arg2: memref<331776xi32, #tpu.memory_space<hbm>>, %arg3: memref<331776x128xf32, #tpu.memory_space<hbm>>, %arg4: memref<331776x128xf32, #tpu.memory_space<hbm>>, %arg5: memref<128x128xf32, #tpu.memory_space<hbm>>, %arg6: memref<10240x128xf32, #tpu.memory_space<hbm>>, %arg7: memref<10240x128xf32, #tpu.memory_space<hbm>>, %arg8: memref<256xi32, #tpu.memory_space<vmem>>, %arg9: memref<256x128xf32, #tpu.memory_space<vmem>>, %arg10: memref<10240x128xf32, #tpu.memory_space<vmem_shared>>) attributes {dimension_semantics = [#tpu.dimension_semantics<core_parallel>, #tpu.dimension_semantics<subcore_parallel>], iteration_bounds = array<i64: 2, 16>, scalar_prefetch = 0 : i64, scratch_operands = 3 : i64, tpu.core_type = #tpu.core_type<sc_vector_subcore>, window_params = [{transform_indices = #map}, {transform_indices = #map1}, {transform_indices = #map1}, {transform_indices = #map1}, {transform_indices = #map1}, {transform_indices = #map1}]} {
    "tpu.region"() ({
      %run_scoped3A = tpu.sem_alloc : memref<!tpu.dma_semaphore, #tpu.memory_space<semaphore_mem>>
      %dma_start3A = arith.constant 0 : i32
      %dma_start3A_30 = arith.constant 0 : i32
      %dma_start3A_31 = tpu.memref_slice %arg9[%dma_start3A, %dma_start3A_30] : memref<256x128xf32, #tpu.memory_space<vmem>> -> memref<128x128xf32, #tpu.memory_space<vmem>>
      %dma_start3A_32 = arith.constant 0 : i32
      %dma_start3A_33 = arith.constant 0 : i32
      %dma_start3A_34 = tpu.memref_slice %arg9[%dma_start3A_32, %dma_start3A_33] : memref<256x128xf32, #tpu.memory_space<vmem>> -> memref<128x128xf32, #tpu.memory_space<vmem>>
      tpu.enqueue_dma source(%arg5 : memref<128x128xf32, #tpu.memory_space<hbm>>) target(%dma_start3A_34 : memref<128x128xf32, #tpu.memory_space<vmem>>) target_semaphore(%run_scoped3A : memref<!tpu.dma_semaphore, #tpu.memory_space<semaphore_mem>>)
      %dma_wait3A = arith.constant 0 : i32
      %dma_wait3A_35 = arith.constant 0 : i32
      %dma_wait3A_36 = tpu.memref_slice %arg9[%dma_wait3A, %dma_wait3A_35] : memref<256x128xf32, #tpu.memory_space<vmem>> -> memref<128x128xf32, #tpu.memory_space<vmem>>
      %dma_wait3A_37 = arith.constant 0 : i32
      %dma_wait3A_38 = arith.constant 0 : i32
      %dma_wait3A_39 = tpu.memref_slice %arg9[%dma_wait3A_37, %dma_wait3A_38] : memref<256x128xf32, #tpu.memory_space<vmem>> -> memref<128x128xf32, #tpu.memory_space<vmem>>
      tpu.wait_dma2 semaphore(%run_scoped3A : memref<!tpu.dma_semaphore, #tpu.memory_space<semaphore_mem>>) src(%arg5 : memref<128x128xf32, #tpu.memory_space<hbm>>) dst(%dma_wait3A_39 : memref<128x128xf32, #tpu.memory_space<vmem>>)
      tpu.yield
    }) : () -> ()
    %mul3A = arith.constant 640 : i32
    %mul3A_0 = arith.muli %arg1, %mul3A : i32
    %add3A = arith.constant 0 : i32
    %add3A_1 = arith.addi %mul3A_0, %add3A : i32
    "tpu.region"() ({
      %run_scoped3A = tpu.sem_alloc : memref<!tpu.dma_semaphore, #tpu.memory_space<semaphore_mem>>
      %dma_start3A = arith.constant 0 : i32
      %dma_start3A_30 = arith.constant 0 : i32
      %dma_start3A_31 = tpu.memref_slice %arg9[%dma_start3A, %dma_start3A_30] : memref<256x128xf32, #tpu.memory_space<vmem>> -> memref<128x128xf32, #tpu.memory_space<vmem>>
      %dma_start3A_32 = arith.constant 0 : i32
      %dma_start3A_33 = tpu.memref_slice %arg10[%add3A_1, %dma_start3A_32] : memref<10240x128xf32, #tpu.memory_space<vmem_shared>> -> memref<128x128xf32, #tpu.memory_space<vmem_shared>>
      %dma_start3A_34 = arith.constant 0 : i32
      %dma_start3A_35 = tpu.memref_slice %arg10[%add3A_1, %dma_start3A_34] : memref<10240x128xf32, #tpu.memory_space<vmem_shared>> -> memref<128x128xf32, #tpu.memory_space<vmem_shared>>
      %dma_start3A_36 = arith.constant 0 : i32
      %dma_start3A_37 = arith.constant 0 : i32
      %dma_start3A_38 = tpu.memref_slice %arg9[%dma_start3A_36, %dma_start3A_37] : memref<256x128xf32, #tpu.memory_space<vmem>> -> memref<128x128xf32, #tpu.memory_space<vmem>>
      tpu.enqueue_dma source(%dma_start3A_38 : memref<128x128xf32, #tpu.memory_space<vmem>>) target(%dma_start3A_35 : memref<128x128xf32, #tpu.memory_space<vmem_shared>>) target_semaphore(%run_scoped3A : memref<!tpu.dma_semaphore, #tpu.memory_space<semaphore_mem>>)
      %dma_wait3A = arith.constant 0 : i32
      %dma_wait3A_39 = arith.constant 0 : i32
      %dma_wait3A_40 = tpu.memref_slice %arg9[%dma_wait3A, %dma_wait3A_39] : memref<256x128xf32, #tpu.memory_space<vmem>> -> memref<128x128xf32, #tpu.memory_space<vmem>>
      %dma_wait3A_41 = arith.constant 0 : i32
      %dma_wait3A_42 = tpu.memref_slice %arg10[%add3A_1, %dma_wait3A_41] : memref<10240x128xf32, #tpu.memory_space<vmem_shared>> -> memref<128x128xf32, #tpu.memory_space<vmem_shared>>
      %dma_wait3A_43 = arith.constant 0 : i32
      %dma_wait3A_44 = tpu.memref_slice %arg10[%add3A_1, %dma_wait3A_43] : memref<10240x128xf32, #tpu.memory_space<vmem_shared>> -> memref<128x128xf32, #tpu.memory_space<vmem_shared>>
      %dma_wait3A_45 = arith.constant 0 : i32
      %dma_wait3A_46 = arith.constant 0 : i32
      %dma_wait3A_47 = tpu.memref_slice %arg9[%dma_wait3A_45, %dma_wait3A_46] : memref<256x128xf32, #tpu.memory_space<vmem>> -> memref<128x128xf32, #tpu.memory_space<vmem>>
      tpu.wait_dma2 semaphore(%run_scoped3A : memref<!tpu.dma_semaphore, #tpu.memory_space<semaphore_mem>>) src(%dma_wait3A_47 : memref<128x128xf32, #tpu.memory_space<vmem>>) dst(%dma_wait3A_44 : memref<128x128xf32, #tpu.memory_space<vmem_shared>>)
      tpu.yield
    }) : () -> ()
    %mul3A_2 = arith.constant 640 : i32
    %mul3A_3 = arith.muli %arg1, %mul3A_2 : i32
    %add3A_4 = arith.constant 128 : i32
    %add3A_5 = arith.addi %mul3A_3, %add3A_4 : i32
    "tpu.region"() ({
      %run_scoped3A = tpu.sem_alloc : memref<!tpu.dma_semaphore, #tpu.memory_space<semaphore_mem>>
      %dma_start3A = arith.constant 0 : i32
      %dma_start3A_30 = arith.constant 0 : i32
      %dma_start3A_31 = tpu.memref_slice %arg9[%dma_start3A, %dma_start3A_30] : memref<256x128xf32, #tpu.memory_space<vmem>> -> memref<128x128xf32, #tpu.memory_space<vmem>>
      %dma_start3A_32 = arith.constant 0 : i32
      %dma_start3A_33 = tpu.memref_slice %arg10[%add3A_5, %dma_start3A_32] : memref<10240x128xf32, #tpu.memory_space<vmem_shared>> -> memref<128x128xf32, #tpu.memory_space<vmem_shared>>
      %dma_start3A_34 = arith.constant 0 : i32
      %dma_start3A_35 = tpu.memref_slice %arg10[%add3A_5, %dma_start3A_34] : memref<10240x128xf32, #tpu.memory_space<vmem_shared>> -> memref<128x128xf32, #tpu.memory_space<vmem_shared>>
      %dma_start3A_36 = arith.constant 0 : i32
      %dma_start3A_37 = arith.constant 0 : i32
      %dma_start3A_38 = tpu.memref_slice %arg9[%dma_start3A_36, %dma_start3A_37] : memref<256x128xf32, #tpu.memory_space<vmem>> -> memref<128x128xf32, #tpu.memory_space<vmem>>
      tpu.enqueue_dma source(%dma_start3A_38 : memref<128x128xf32, #tpu.memory_space<vmem>>) target(%dma_start3A_35 : memref<128x128xf32, #tpu.memory_space<vmem_shared>>) target_semaphore(%run_scoped3A : memref<!tpu.dma_semaphore, #tpu.memory_space<semaphore_mem>>)
      %dma_wait3A = arith.constant 0 : i32
      %dma_wait3A_39 = arith.constant 0 : i32
      %dma_wait3A_40 = tpu.memref_slice %arg9[%dma_wait3A, %dma_wait3A_39] : memref<256x128xf32, #tpu.memory_space<vmem>> -> memref<128x128xf32, #tpu.memory_space<vmem>>
      %dma_wait3A_41 = arith.constant 0 : i32
      %dma_wait3A_42 = tpu.memref_slice %arg10[%add3A_5, %dma_wait3A_41] : memref<10240x128xf32, #tpu.memory_space<vmem_shared>> -> memref<128x128xf32, #tpu.memory_space<vmem_shared>>
      %dma_wait3A_43 = arith.constant 0 : i32
      %dma_wait3A_44 = tpu.memref_slice %arg10[%add3A_5, %dma_wait3A_43] : memref<10240x128xf32, #tpu.memory_space<vmem_shared>> -> memref<128x128xf32, #tpu.memory_space<vmem_shared>>
      %dma_wait3A_45 = arith.constant 0 : i32
      %dma_wait3A_46 = arith.constant 0 : i32
      %dma_wait3A_47 = tpu.memref_slice %arg9[%dma_wait3A_45, %dma_wait3A_46] : memref<256x128xf32, #tpu.memory_space<vmem>> -> memref<128x128xf32, #tpu.memory_space<vmem>>
      tpu.wait_dma2 semaphore(%run_scoped3A : memref<!tpu.dma_semaphore, #tpu.memory_space<semaphore_mem>>) src(%dma_wait3A_47 : memref<128x128xf32, #tpu.memory_space<vmem>>) dst(%dma_wait3A_44 : memref<128x128xf32, #tpu.memory_space<vmem_shared>>)
      tpu.yield
    }) : () -> ()
    %mul3A_6 = arith.constant 640 : i32
    %mul3A_7 = arith.muli %arg1, %mul3A_6 : i32
    %add3A_8 = arith.constant 256 : i32
    %add3A_9 = arith.addi %mul3A_7, %add3A_8 : i32
    "tpu.region"() ({
      %run_scoped3A = tpu.sem_alloc : memref<!tpu.dma_semaphore, #tpu.memory_space<semaphore_mem>>
      %dma_start3A = arith.constant 0 : i32
      %dma_start3A_30 = arith.constant 0 : i32
      %dma_start3A_31 = tpu.memref_slice %arg9[%dma_start3A, %dma_start3A_30] : memref<256x128xf32, #tpu.memory_space<vmem>> -> memref<128x128xf32, #tpu.memory_space<vmem>>
      %dma_start3A_32 = arith.constant 0 : i32
      %dma_start3A_33 = tpu.memref_slice %arg10[%add3A_9, %dma_start3A_32] : memref<10240x128xf32, #tpu.memory_space<vmem_shared>> -> memref<128x128xf32, #tpu.memory_space<vmem_shared>>
      %dma_start3A_34 = arith.constant 0 : i32
      %dma_start3A_35 = tpu.memref_slice %arg10[%add3A_9, %dma_start3A_34] : memref<10240x128xf32, #tpu.memory_space<vmem_shared>> -> memref<128x128xf32, #tpu.memory_space<vmem_shared>>
      %dma_start3A_36 = arith.constant 0 : i32
      %dma_start3A_37 = arith.constant 0 : i32
      %dma_start3A_38 = tpu.memref_slice %arg9[%dma_start3A_36, %dma_start3A_37] : memref<256x128xf32, #tpu.memory_space<vmem>> -> memref<128x128xf32, #tpu.memory_space<vmem>>
      tpu.enqueue_dma source(%dma_start3A_38 : memref<128x128xf32, #tpu.memory_space<vmem>>) target(%dma_start3A_35 : memref<128x128xf32, #tpu.memory_space<vmem_shared>>) target_semaphore(%run_scoped3A : memref<!tpu.dma_semaphore, #tpu.memory_space<semaphore_mem>>)
      %dma_wait3A = arith.constant 0 : i32
      %dma_wait3A_39 = arith.constant 0 : i32
      %dma_wait3A_40 = tpu.memref_slice %arg9[%dma_wait3A, %dma_wait3A_39] : memref<256x128xf32, #tpu.memory_space<vmem>> -> memref<128x128xf32, #tpu.memory_space<vmem>>
      %dma_wait3A_41 = arith.constant 0 : i32
      %dma_wait3A_42 = tpu.memref_slice %arg10[%add3A_9, %dma_wait3A_41] : memref<10240x128xf32, #tpu.memory_space<vmem_shared>> -> memref<128x128xf32, #tpu.memory_space<vmem_shared>>
      %dma_wait3A_43 = arith.constant 0 : i32
      %dma_wait3A_44 = tpu.memref_slice %arg10[%add3A_9, %dma_wait3A_43] : memref<10240x128xf32, #tpu.memory_space<vmem_shared>> -> memref<128x128xf32, #tpu.memory_space<vmem_shared>>
      %dma_wait3A_45 = arith.constant 0 : i32
      %dma_wait3A_46 = arith.constant 0 : i32
      %dma_wait3A_47 = tpu.memref_slice %arg9[%dma_wait3A_45, %dma_wait3A_46] : memref<256x128xf32, #tpu.memory_space<vmem>> -> memref<128x128xf32, #tpu.memory_space<vmem>>
      tpu.wait_dma2 semaphore(%run_scoped3A : memref<!tpu.dma_semaphore, #tpu.memory_space<semaphore_mem>>) src(%dma_wait3A_47 : memref<128x128xf32, #tpu.memory_space<vmem>>) dst(%dma_wait3A_44 : memref<128x128xf32, #tpu.memory_space<vmem_shared>>)
      tpu.yield
    }) : () -> ()
    %mul3A_10 = arith.constant 640 : i32
    %mul3A_11 = arith.muli %arg1, %mul3A_10 : i32
    %add3A_12 = arith.constant 384 : i32
    %add3A_13 = arith.addi %mul3A_11, %add3A_12 : i32
    "tpu.region"() ({
      %run_scoped3A = tpu.sem_alloc : memref<!tpu.dma_semaphore, #tpu.memory_space<semaphore_mem>>
      %dma_start3A = arith.constant 0 : i32
      %dma_start3A_30 = arith.constant 0 : i32
      %dma_start3A_31 = tpu.memref_slice %arg9[%dma_start3A, %dma_start3A_30] : memref<256x128xf32, #tpu.memory_space<vmem>> -> memref<128x128xf32, #tpu.memory_space<vmem>>
      %dma_start3A_32 = arith.constant 0 : i32
      %dma_start3A_33 = tpu.memref_slice %arg10[%add3A_13, %dma_start3A_32] : memref<10240x128xf32, #tpu.memory_space<vmem_shared>> -> memref<128x128xf32, #tpu.memory_space<vmem_shared>>
      %dma_start3A_34 = arith.constant 0 : i32
      %dma_start3A_35 = tpu.memref_slice %arg10[%add3A_13, %dma_start3A_34] : memref<10240x128xf32, #tpu.memory_space<vmem_shared>> -> memref<128x128xf32, #tpu.memory_space<vmem_shared>>
      %dma_start3A_36 = arith.constant 0 : i32
      %dma_start3A_37 = arith.constant 0 : i32
      %dma_start3A_38 = tpu.memref_slice %arg9[%dma_start3A_36, %dma_start3A_37] : memref<256x128xf32, #tpu.memory_space<vmem>> -> memref<128x128xf32, #tpu.memory_space<vmem>>
      tpu.enqueue_dma source(%dma_start3A_38 : memref<128x128xf32, #tpu.memory_space<vmem>>) target(%dma_start3A_35 : memref<128x128xf32, #tpu.memory_space<vmem_shared>>) target_semaphore(%run_scoped3A : memref<!tpu.dma_semaphore, #tpu.memory_space<semaphore_mem>>)
      %dma_wait3A = arith.constant 0 : i32
      %dma_wait3A_39 = arith.constant 0 : i32
      %dma_wait3A_40 = tpu.memref_slice %arg9[%dma_wait3A, %dma_wait3A_39] : memref<256x128xf32, #tpu.memory_space<vmem>> -> memref<128x128xf32, #tpu.memory_space<vmem>>
      %dma_wait3A_41 = arith.constant 0 : i32
      %dma_wait3A_42 = tpu.memref_slice %arg10[%add3A_13, %dma_wait3A_41] : memref<10240x128xf32, #tpu.memory_space<vmem_shared>> -> memref<128x128xf32, #tpu.memory_space<vmem_shared>>
      %dma_wait3A_43 = arith.constant 0 : i32
      %dma_wait3A_44 = tpu.memref_slice %arg10[%add3A_13, %dma_wait3A_43] : memref<10240x128xf32, #tpu.memory_space<vmem_shared>> -> memref<128x128xf32, #tpu.memory_space<vmem_shared>>
      %dma_wait3A_45 = arith.constant 0 : i32
      %dma_wait3A_46 = arith.constant 0 : i32
      %dma_wait3A_47 = tpu.memref_slice %arg9[%dma_wait3A_45, %dma_wait3A_46] : memref<256x128xf32, #tpu.memory_space<vmem>> -> memref<128x128xf32, #tpu.memory_space<vmem>>
      tpu.wait_dma2 semaphore(%run_scoped3A : memref<!tpu.dma_semaphore, #tpu.memory_space<semaphore_mem>>) src(%dma_wait3A_47 : memref<128x128xf32, #tpu.memory_space<vmem>>) dst(%dma_wait3A_44 : memref<128x128xf32, #tpu.memory_space<vmem_shared>>)
      tpu.yield
    }) : () -> ()
    %mul3A_14 = arith.constant 640 : i32
    %mul3A_15 = arith.muli %arg1, %mul3A_14 : i32
    %add3A_16 = arith.constant 512 : i32
    %add3A_17 = arith.addi %mul3A_15, %add3A_16 : i32
    "tpu.region"() ({
      %run_scoped3A = tpu.sem_alloc : memref<!tpu.dma_semaphore, #tpu.memory_space<semaphore_mem>>
      %dma_start3A = arith.constant 0 : i32
      %dma_start3A_30 = arith.constant 0 : i32
      %dma_start3A_31 = tpu.memref_slice %arg9[%dma_start3A, %dma_start3A_30] : memref<256x128xf32, #tpu.memory_space<vmem>> -> memref<128x128xf32, #tpu.memory_space<vmem>>
      %dma_start3A_32 = arith.constant 0 : i32
      %dma_start3A_33 = tpu.memref_slice %arg10[%add3A_17, %dma_start3A_32] : memref<10240x128xf32, #tpu.memory_space<vmem_shared>> -> memref<128x128xf32, #tpu.memory_space<vmem_shared>>
      %dma_start3A_34 = arith.constant 0 : i32
      %dma_start3A_35 = tpu.memref_slice %arg10[%add3A_17, %dma_start3A_34] : memref<10240x128xf32, #tpu.memory_space<vmem_shared>> -> memref<128x128xf32, #tpu.memory_space<vmem_shared>>
      %dma_start3A_36 = arith.constant 0 : i32
      %dma_start3A_37 = arith.constant 0 : i32
      %dma_start3A_38 = tpu.memref_slice %arg9[%dma_start3A_36, %dma_start3A_37] : memref<256x128xf32, #tpu.memory_space<vmem>> -> memref<128x128xf32, #tpu.memory_space<vmem>>
      tpu.enqueue_dma source(%dma_start3A_38 : memref<128x128xf32, #tpu.memory_space<vmem>>) target(%dma_start3A_35 : memref<128x128xf32, #tpu.memory_space<vmem_shared>>) target_semaphore(%run_scoped3A : memref<!tpu.dma_semaphore, #tpu.memory_space<semaphore_mem>>)
      %dma_wait3A = arith.constant 0 : i32
      %dma_wait3A_39 = arith.constant 0 : i32
      %dma_wait3A_40 = tpu.memref_slice %arg9[%dma_wait3A, %dma_wait3A_39] : memref<256x128xf32, #tpu.memory_space<vmem>> -> memref<128x128xf32, #tpu.memory_space<vmem>>
      %dma_wait3A_41 = arith.constant 0 : i32
      %dma_wait3A_42 = tpu.memref_slice %arg10[%add3A_17, %dma_wait3A_41] : memref<10240x128xf32, #tpu.memory_space<vmem_shared>> -> memref<128x128xf32, #tpu.memory_space<vmem_shared>>
      %dma_wait3A_43 = arith.constant 0 : i32
      %dma_wait3A_44 = tpu.memref_slice %arg10[%add3A_17, %dma_wait3A_43] : memref<10240x128xf32, #tpu.memory_space<vmem_shared>> -> memref<128x128xf32, #tpu.memory_space<vmem_shared>>
      %dma_wait3A_45 = arith.constant 0 : i32
      %dma_wait3A_46 = arith.constant 0 : i32
      %dma_wait3A_47 = tpu.memref_slice %arg9[%dma_wait3A_45, %dma_wait3A_46] : memref<256x128xf32, #tpu.memory_space<vmem>> -> memref<128x128xf32, #tpu.memory_space<vmem>>
      tpu.wait_dma2 semaphore(%run_scoped3A : memref<!tpu.dma_semaphore, #tpu.memory_space<semaphore_mem>>) src(%dma_wait3A_47 : memref<128x128xf32, #tpu.memory_space<vmem>>) dst(%dma_wait3A_44 : memref<128x128xf32, #tpu.memory_space<vmem_shared>>)
      tpu.yield
    }) : () -> ()
    %barrier3A = arith.constant 0 : index
    tpu.barrier barrier_id(%barrier3A)
    %scan3A = arith.constant 0 : i32
    %scan3A_18 = arith.constant 0 : i32
    %scan3A_19 = arith.constant 81 : i32
    %scan3A_20 = arith.addi %scan3A_18, %scan3A_19 : i32
    %scan3A_21 = arith.constant 1 : i32
    scf.for %scan3A_30 = %scan3A_18 to %scan3A_20 step %scan3A_21  : i32 {
      %mul3A_31 = arith.constant 20736 : i32
      %mul3A_32 = arith.muli %arg1, %mul3A_31 : i32
      %mul3A_33 = arith.constant 256 : i32
      %mul3A_34 = arith.muli %scan3A_30, %mul3A_33 : i32
      %add3A_35 = arith.addi %mul3A_32, %mul3A_34 : i32
      "tpu.region"() ({
        %run_scoped3A = tpu.sem_alloc : memref<!tpu.dma_semaphore, #tpu.memory_space<semaphore_mem>>
        %dma_start3A = tpu.memref_slice %arg2[%add3A_35] : memref<331776xi32, #tpu.memory_space<hbm>> -> memref<256xi32, #tpu.memory_space<hbm>>
        %dma_start3A_43 = tpu.memref_slice %arg2[%add3A_35] : memref<331776xi32, #tpu.memory_space<hbm>> -> memref<256xi32, #tpu.memory_space<hbm>>
        tpu.enqueue_dma source(%dma_start3A_43 : memref<256xi32, #tpu.memory_space<hbm>>) target(%arg8 : memref<256xi32, #tpu.memory_space<vmem>>) target_semaphore(%run_scoped3A : memref<!tpu.dma_semaphore, #tpu.memory_space<semaphore_mem>>)
        %dma_wait3A = tpu.memref_slice %arg2[%add3A_35] : memref<331776xi32, #tpu.memory_space<hbm>> -> memref<256xi32, #tpu.memory_space<hbm>>
        %dma_wait3A_44 = tpu.memref_slice %arg2[%add3A_35] : memref<331776xi32, #tpu.memory_space<hbm>> -> memref<256xi32, #tpu.memory_space<hbm>>
        tpu.wait_dma2 semaphore(%run_scoped3A : memref<!tpu.dma_semaphore, #tpu.memory_space<semaphore_mem>>) src(%dma_wait3A_44 : memref<256xi32, #tpu.memory_space<hbm>>) dst(%arg8 : memref<256xi32, #tpu.memory_space<vmem>>)
        tpu.yield
      }) : () -> ()
      %eq3A = arith.constant 0 : i32
      %eq3A_36 = arith.cmpi eq, %arg0, %eq3A : i32
      %convert_element_type3A = arith.extui %eq3A_36 : i1 to i32
      %cond3A = arith.constant 0 : i32
      %cond3A_37 = arith.cmpi ne, %convert_element_type3A, %cond3A : i32
      scf.if %cond3A_37 {
        "tpu.region"() ({
          %run_scoped3A = tpu.sem_alloc : memref<!tpu.dma_semaphore, #tpu.memory_space<semaphore_mem>>
          %dma_start3A = arith.constant 0 : i32
          %dma_start3A_43 = tpu.memref_slice %arg3[%add3A_35, %dma_start3A] : memref<331776x128xf32, #tpu.memory_space<hbm>> -> memref<256x128xf32, #tpu.memory_space<hbm>>
          %dma_start3A_44 = arith.constant 0 : i32
          %dma_start3A_45 = tpu.memref_slice %arg3[%add3A_35, %dma_start3A_44] : memref<331776x128xf32, #tpu.memory_space<hbm>> -> memref<256x128xf32, #tpu.memory_space<hbm>>
          tpu.enqueue_dma source(%dma_start3A_45 : memref<256x128xf32, #tpu.memory_space<hbm>>) target(%arg9 : memref<256x128xf32, #tpu.memory_space<vmem>>) target_semaphore(%run_scoped3A : memref<!tpu.dma_semaphore, #tpu.memory_space<semaphore_mem>>)
          %dma_wait3A = arith.constant 0 : i32
          %dma_wait3A_46 = tpu.memref_slice %arg3[%add3A_35, %dma_wait3A] : memref<331776x128xf32, #tpu.memory_space<hbm>> -> memref<256x128xf32, #tpu.memory_space<hbm>>
          %dma_wait3A_47 = arith.constant 0 : i32
          %dma_wait3A_48 = tpu.memref_slice %arg3[%add3A_35, %dma_wait3A_47] : memref<331776x128xf32, #tpu.memory_space<hbm>> -> memref<256x128xf32, #tpu.memory_space<hbm>>
          tpu.wait_dma2 semaphore(%run_scoped3A : memref<!tpu.dma_semaphore, #tpu.memory_space<semaphore_mem>>) src(%dma_wait3A_48 : memref<256x128xf32, #tpu.memory_space<hbm>>) dst(%arg9 : memref<256x128xf32, #tpu.memory_space<vmem>>)
          tpu.yield
        }) : () -> ()
      } else {
      }
      %eq3A_38 = arith.constant 1 : i32
      %eq3A_39 = arith.cmpi eq, %arg0, %eq3A_38 : i32
      %convert_element_type3A_40 = arith.extui %eq3A_39 : i1 to i32
      %cond3A_41 = arith.constant 0 : i32
      %cond3A_42 = arith.cmpi ne, %convert_element_type3A_40, %cond3A_41 : i32
      scf.if %cond3A_42 {
        "tpu.region"() ({
          %run_scoped3A = tpu.sem_alloc : memref<!tpu.dma_semaphore, #tpu.memory_space<semaphore_mem>>
          %dma_start3A = arith.constant 0 : i32
          %dma_start3A_43 = tpu.memref_slice %arg4[%add3A_35, %dma_start3A] : memref<331776x128xf32, #tpu.memory_space<hbm>> -> memref<256x128xf32, #tpu.memory_space<hbm>>
          %dma_start3A_44 = arith.constant 0 : i32
          %dma_start3A_45 = tpu.memref_slice %arg4[%add3A_35, %dma_start3A_44] : memref<331776x128xf32, #tpu.memory_space<hbm>> -> memref<256x128xf32, #tpu.memory_space<hbm>>
          tpu.enqueue_dma source(%dma_start3A_45 : memref<256x128xf32, #tpu.memory_space<hbm>>) target(%arg9 : memref<256x128xf32, #tpu.memory_space<vmem>>) target_semaphore(%run_scoped3A : memref<!tpu.dma_semaphore, #tpu.memory_space<semaphore_mem>>)
          %dma_wait3A = arith.constant 0 : i32
          %dma_wait3A_46 = tpu.memref_slice %arg4[%add3A_35, %dma_wait3A] : memref<331776x128xf32, #tpu.memory_space<hbm>> -> memref<256x128xf32, #tpu.memory_space<hbm>>
          %dma_wait3A_47 = arith.constant 0 : i32
          %dma_wait3A_48 = tpu.memref_slice %arg4[%add3A_35, %dma_wait3A_47] : memref<331776x128xf32, #tpu.memory_space<hbm>> -> memref<256x128xf32, #tpu.memory_space<hbm>>
          tpu.wait_dma2 semaphore(%run_scoped3A : memref<!tpu.dma_semaphore, #tpu.memory_space<semaphore_mem>>) src(%dma_wait3A_48 : memref<256x128xf32, #tpu.memory_space<hbm>>) dst(%arg9 : memref<256x128xf32, #tpu.memory_space<vmem>>)
          tpu.yield
        }) : () -> ()
      } else {
      }
      "tpu.region"() ({
        %run_scoped3A = tpu.sem_alloc : memref<!tpu.dma_semaphore, #tpu.memory_space<semaphore_mem>>
        %dma_start3A = arith.constant 0 : i32
        %dma_start3A_43 = arith.constant 0 : i32
        %dma_start3A_44 = tpu.memref_slice %arg10[%dma_start3A, %dma_start3A_43] : memref<10240x128xf32, #tpu.memory_space<vmem_shared>> -> memref<10240x128xf32, #tpu.memory_space<vmem_shared>>
        tpu.enqueue_indirect_dma source(%arg9 : memref<256x128xf32, #tpu.memory_space<vmem>>) target(%dma_start3A_44 : memref<10240x128xf32, #tpu.memory_space<vmem_shared>>) offsets(%arg8 : memref<256xi32, #tpu.memory_space<vmem>>) semaphore(%run_scoped3A : memref<!tpu.dma_semaphore, #tpu.memory_space<semaphore_mem>>) {add = true}
        %dma_wait3A = arith.constant 0 : i32
        %dma_wait3A_45 = arith.constant 0 : i32
        %dma_wait3A_46 = tpu.memref_slice %arg10[%dma_wait3A, %dma_wait3A_45] : memref<10240x128xf32, #tpu.memory_space<vmem_shared>> -> memref<10240x128xf32, #tpu.memory_space<vmem_shared>>
        tpu.wait_indirect_dma semaphore(%run_scoped3A : memref<!tpu.dma_semaphore, #tpu.memory_space<semaphore_mem>>) src(%arg9 : memref<256x128xf32, #tpu.memory_space<vmem>>) dst(%dma_wait3A_46 : memref<10240x128xf32, #tpu.memory_space<vmem_shared>>)
        tpu.yield
      }) : () -> ()
    }
    %scan3A_22 = arith.constant 81 : i32
    %barrier3A_23 = arith.constant 0 : index
    tpu.barrier barrier_id(%barrier3A_23)
    %scan3A_24 = arith.constant 0 : i32
    %scan3A_25 = arith.constant 0 : i32
    %scan3A_26 = arith.constant 5 : i32
    %scan3A_27 = arith.addi %scan3A_25, %scan3A_26 : i32
    %scan3A_28 = arith.constant 1 : i32
    scf.for %scan3A_30 = %scan3A_25 to %scan3A_27 step %scan3A_28  : i32 {
      %mul3A_31 = arith.constant 640 : i32
      %mul3A_32 = arith.muli %arg1, %mul3A_31 : i32
      %mul3A_33 = arith.constant 128 : i32
      %mul3A_34 = arith.muli %scan3A_30, %mul3A_33 : i32
      %add3A_35 = arith.addi %mul3A_32, %mul3A_34 : i32
      "tpu.region"() ({
        %run_scoped3A = tpu.sem_alloc : memref<!tpu.dma_semaphore, #tpu.memory_space<semaphore_mem>>
        %dma_start3A = arith.constant 0 : i32
        %dma_start3A_43 = arith.constant 0 : i32
        %dma_start3A_44 = tpu.memref_slice %arg9[%dma_start3A, %dma_start3A_43] : memref<256x128xf32, #tpu.memory_space<vmem>> -> memref<128x128xf32, #tpu.memory_space<vmem>>
        %dma_start3A_45 = arith.constant 0 : i32
        %dma_start3A_46 = tpu.memref_slice %arg10[%add3A_35, %dma_start3A_45] : memref<10240x128xf32, #tpu.memory_space<vmem_shared>> -> memref<128x128xf32, #tpu.memory_space<vmem_shared>>
        %dma_start3A_47 = arith.constant 0 : i32
        %dma_start3A_48 = arith.constant 0 : i32
        %dma_start3A_49 = tpu.memref_slice %arg9[%dma_start3A_47, %dma_start3A_48] : memref<256x128xf32, #tpu.memory_space<vmem>> -> memref<128x128xf32, #tpu.memory_space<vmem>>
        %dma_start3A_50 = arith.constant 0 : i32
        %dma_start3A_51 = tpu.memref_slice %arg10[%add3A_35, %dma_start3A_50] : memref<10240x128xf32, #tpu.memory_space<vmem_shared>> -> memref<128x128xf32, #tpu.memory_space<vmem_shared>>
        tpu.enqueue_dma source(%dma_start3A_51 : memref<128x128xf32, #tpu.memory_space<vmem_shared>>) target(%dma_start3A_49 : memref<128x128xf32, #tpu.memory_space<vmem>>) target_semaphore(%run_scoped3A : memref<!tpu.dma_semaphore, #tpu.memory_space<semaphore_mem>>)
        %dma_wait3A = arith.constant 0 : i32
        %dma_wait3A_52 = arith.constant 0 : i32
        %dma_wait3A_53 = tpu.memref_slice %arg9[%dma_wait3A, %dma_wait3A_52] : memref<256x128xf32, #tpu.memory_space<vmem>> -> memref<128x128xf32, #tpu.memory_space<vmem>>
        %dma_wait3A_54 = arith.constant 0 : i32
        %dma_wait3A_55 = tpu.memref_slice %arg10[%add3A_35, %dma_wait3A_54] : memref<10240x128xf32, #tpu.memory_space<vmem_shared>> -> memref<128x128xf32, #tpu.memory_space<vmem_shared>>
        %dma_wait3A_56 = arith.constant 0 : i32
        %dma_wait3A_57 = arith.constant 0 : i32
        %dma_wait3A_58 = tpu.memref_slice %arg9[%dma_wait3A_56, %dma_wait3A_57] : memref<256x128xf32, #tpu.memory_space<vmem>> -> memref<128x128xf32, #tpu.memory_space<vmem>>
        %dma_wait3A_59 = arith.constant 0 : i32
        %dma_wait3A_60 = tpu.memref_slice %arg10[%add3A_35, %dma_wait3A_59] : memref<10240x128xf32, #tpu.memory_space<vmem_shared>> -> memref<128x128xf32, #tpu.memory_space<vmem_shared>>
        tpu.wait_dma2 semaphore(%run_scoped3A : memref<!tpu.dma_semaphore, #tpu.memory_space<semaphore_mem>>) src(%dma_wait3A_60 : memref<128x128xf32, #tpu.memory_space<vmem_shared>>) dst(%dma_wait3A_58 : memref<128x128xf32, #tpu.memory_space<vmem>>)
        tpu.yield
      }) : () -> ()
      %eq3A = arith.constant 0 : i32
      %eq3A_36 = arith.cmpi eq, %arg0, %eq3A : i32
      %convert_element_type3A = arith.extui %eq3A_36 : i1 to i32
      %cond3A = arith.constant 0 : i32
      %cond3A_37 = arith.cmpi ne, %convert_element_type3A, %cond3A : i32
      scf.if %cond3A_37 {
        "tpu.region"() ({
          %run_scoped3A = tpu.sem_alloc : memref<!tpu.dma_semaphore, #tpu.memory_space<semaphore_mem>>
          %dma_start3A = arith.constant 0 : i32
          %dma_start3A_43 = arith.constant 0 : i32
          %dma_start3A_44 = tpu.memref_slice %arg9[%dma_start3A, %dma_start3A_43] : memref<256x128xf32, #tpu.memory_space<vmem>> -> memref<128x128xf32, #tpu.memory_space<vmem>>
          %dma_start3A_45 = arith.constant 0 : i32
          %dma_start3A_46 = tpu.memref_slice %arg6[%add3A_35, %dma_start3A_45] : memref<10240x128xf32, #tpu.memory_space<hbm>> -> memref<128x128xf32, #tpu.memory_space<hbm>>
          %dma_start3A_47 = arith.constant 0 : i32
          %dma_start3A_48 = tpu.memref_slice %arg6[%add3A_35, %dma_start3A_47] : memref<10240x128xf32, #tpu.memory_space<hbm>> -> memref<128x128xf32, #tpu.memory_space<hbm>>
          %dma_start3A_49 = arith.constant 0 : i32
          %dma_start3A_50 = arith.constant 0 : i32
          %dma_start3A_51 = tpu.memref_slice %arg9[%dma_start3A_49, %dma_start3A_50] : memref<256x128xf32, #tpu.memory_space<vmem>> -> memref<128x128xf32, #tpu.memory_space<vmem>>
          tpu.enqueue_dma source(%dma_start3A_51 : memref<128x128xf32, #tpu.memory_space<vmem>>) target(%dma_start3A_48 : memref<128x128xf32, #tpu.memory_space<hbm>>) target_semaphore(%run_scoped3A : memref<!tpu.dma_semaphore, #tpu.memory_space<semaphore_mem>>)
          %dma_wait3A = arith.constant 0 : i32
          %dma_wait3A_52 = arith.constant 0 : i32
          %dma_wait3A_53 = tpu.memref_slice %arg9[%dma_wait3A, %dma_wait3A_52] : memref<256x128xf32, #tpu.memory_space<vmem>> -> memref<128x128xf32, #tpu.memory_space<vmem>>
          %dma_wait3A_54 = arith.constant 0 : i32
          %dma_wait3A_55 = tpu.memref_slice %arg6[%add3A_35, %dma_wait3A_54] : memref<10240x128xf32, #tpu.memory_space<hbm>> -> memref<128x128xf32, #tpu.memory_space<hbm>>
          %dma_wait3A_56 = arith.constant 0 : i32
          %dma_wait3A_57 = tpu.memref_slice %arg6[%add3A_35, %dma_wait3A_56] : memref<10240x128xf32, #tpu.memory_space<hbm>> -> memref<128x128xf32, #tpu.memory_space<hbm>>
          %dma_wait3A_58 = arith.constant 0 : i32
          %dma_wait3A_59 = arith.constant 0 : i32
          %dma_wait3A_60 = tpu.memref_slice %arg9[%dma_wait3A_58, %dma_wait3A_59] : memref<256x128xf32, #tpu.memory_space<vmem>> -> memref<128x128xf32, #tpu.memory_space<vmem>>
          tpu.wait_dma2 semaphore(%run_scoped3A : memref<!tpu.dma_semaphore, #tpu.memory_space<semaphore_mem>>) src(%dma_wait3A_60 : memref<128x128xf32, #tpu.memory_space<vmem>>) dst(%dma_wait3A_57 : memref<128x128xf32, #tpu.memory_space<hbm>>)
          tpu.yield
        }) : () -> ()
      } else {
      }
      %eq3A_38 = arith.constant 1 : i32
      %eq3A_39 = arith.cmpi eq, %arg0, %eq3A_38 : i32
      %convert_element_type3A_40 = arith.extui %eq3A_39 : i1 to i32
      %cond3A_41 = arith.constant 0 : i32
      %cond3A_42 = arith.cmpi ne, %convert_element_type3A_40, %cond3A_41 : i32
      scf.if %cond3A_42 {
        "tpu.region"() ({
          %run_scoped3A = tpu.sem_alloc : memref<!tpu.dma_semaphore, #tpu.memory_space<semaphore_mem>>
          %dma_start3A = arith.constant 0 : i32
          %dma_start3A_43 = arith.constant 0 : i32
          %dma_start3A_44 = tpu.memref_slice %arg9[%dma_start3A, %dma_start3A_43] : memref<256x128xf32, #tpu.memory_space<vmem>> -> memref<128x128xf32, #tpu.memory_space<vmem>>
          %dma_start3A_45 = arith.constant 0 : i32
          %dma_start3A_46 = tpu.memref_slice %arg7[%add3A_35, %dma_start3A_45] : memref<10240x128xf32, #tpu.memory_space<hbm>> -> memref<128x128xf32, #tpu.memory_space<hbm>>
          %dma_start3A_47 = arith.constant 0 : i32
          %dma_start3A_48 = tpu.memref_slice %arg7[%add3A_35, %dma_start3A_47] : memref<10240x128xf32, #tpu.memory_space<hbm>> -> memref<128x128xf32, #tpu.memory_space<hbm>>
          %dma_start3A_49 = arith.constant 0 : i32
          %dma_start3A_50 = arith.constant 0 : i32
          %dma_start3A_51 = tpu.memref_slice %arg9[%dma_start3A_49, %dma_start3A_50] : memref<256x128xf32, #tpu.memory_space<vmem>> -> memref<128x128xf32, #tpu.memory_space<vmem>>
          tpu.enqueue_dma source(%dma_start3A_51 : memref<128x128xf32, #tpu.memory_space<vmem>>) target(%dma_start3A_48 : memref<128x128xf32, #tpu.memory_space<hbm>>) target_semaphore(%run_scoped3A : memref<!tpu.dma_semaphore, #tpu.memory_space<semaphore_mem>>)
          %dma_wait3A = arith.constant 0 : i32
          %dma_wait3A_52 = arith.constant 0 : i32
          %dma_wait3A_53 = tpu.memref_slice %arg9[%dma_wait3A, %dma_wait3A_52] : memref<256x128xf32, #tpu.memory_space<vmem>> -> memref<128x128xf32, #tpu.memory_space<vmem>>
          %dma_wait3A_54 = arith.constant 0 : i32
          %dma_wait3A_55 = tpu.memref_slice %arg7[%add3A_35, %dma_wait3A_54] : memref<10240x128xf32, #tpu.memory_space<hbm>> -> memref<128x128xf32, #tpu.memory_space<hbm>>
          %dma_wait3A_56 = arith.constant 0 : i32
          %dma_wait3A_57 = tpu.memref_slice %arg7[%add3A_35, %dma_wait3A_56] : memref<10240x128xf32, #tpu.memory_space<hbm>> -> memref<128x128xf32, #tpu.memory_space<hbm>>
          %dma_wait3A_58 = arith.constant 0 : i32
          %dma_wait3A_59 = arith.constant 0 : i32
          %dma_wait3A_60 = tpu.memref_slice %arg9[%dma_wait3A_58, %dma_wait3A_59] : memref<256x128xf32, #tpu.memory_space<vmem>> -> memref<128x128xf32, #tpu.memory_space<vmem>>
          tpu.wait_dma2 semaphore(%run_scoped3A : memref<!tpu.dma_semaphore, #tpu.memory_space<semaphore_mem>>) src(%dma_wait3A_60 : memref<128x128xf32, #tpu.memory_space<vmem>>) dst(%dma_wait3A_57 : memref<128x128xf32, #tpu.memory_space<hbm>>)
          tpu.yield
        }) : () -> ()
      } else {
      }
    }
    %scan3A_29 = arith.constant 5 : i32
    return
  }
}

module attributes {stable_mosaic.version = 14 : i64} {
  func.func @_edge_body(%arg0: i32, %arg1: memref<512x128xi32, #tpu.memory_space<vmem>>, %arg2: memref<512x128xi32, #tpu.memory_space<vmem>>, %arg3: memref<512x128xf32, #tpu.memory_space<vmem>>, %arg4: memref<128x128xf32, #tpu.memory_space<vmem>>, %arg5: memref<1x128xf32, #tpu.memory_space<vmem>>, %arg6: memref<1x128xf32, #tpu.memory_space<vmem>>, %arg7: memref<128x128xf32, #tpu.memory_space<vmem>>, %arg8: memref<1x128xf32, #tpu.memory_space<vmem>>, %arg9: memref<128x128xf32, #tpu.memory_space<vmem>>, %arg10: memref<1x128xf32, #tpu.memory_space<vmem>>, %arg11: memref<512x128xf32, #tpu.memory_space<vmem>>, %arg12: memref<512x128xf32, #tpu.memory_space<vmem>>) attributes {dimension_semantics = [#tpu.dimension_semantics<arbitrary>], iteration_bounds = array<i64: 648>, scalar_prefetch = 0 : i64, scratch_operands = 0 : i64, tpu.core_type = #tpu.core_type<tc>, window_params = [{transform_indices = @transform_0, window_bounds = array<i64: 512, 128>}, {transform_indices = @transform_1, window_bounds = array<i64: 512, 128>}, {transform_indices = @transform_2, window_bounds = array<i64: 512, 128>}, {pipeline_mode = #tpu.pipeline_mode<synchronous>, transform_indices = @transform_3, window_bounds = array<i64: 128, 128>}, {pipeline_mode = #tpu.pipeline_mode<synchronous>, transform_indices = @transform_4, window_bounds = array<i64: 1, 128>}, {pipeline_mode = #tpu.pipeline_mode<synchronous>, transform_indices = @transform_5, window_bounds = array<i64: 1, 128>}, {pipeline_mode = #tpu.pipeline_mode<synchronous>, transform_indices = @transform_6, window_bounds = array<i64: 128, 128>}, {pipeline_mode = #tpu.pipeline_mode<synchronous>, transform_indices = @transform_7, window_bounds = array<i64: 1, 128>}, {pipeline_mode = #tpu.pipeline_mode<synchronous>, transform_indices = @transform_8, window_bounds = array<i64: 128, 128>}, {pipeline_mode = #tpu.pipeline_mode<synchronous>, transform_indices = @transform_9, window_bounds = array<i64: 1, 128>}, {transform_indices = @transform_10, window_bounds = array<i64: 512, 128>}, {transform_indices = @transform_11, window_bounds = array<i64: 512, 128>}]} {
    %get3A = arith.constant 0 : index
    %get3A_0 = arith.constant 0 : index
    %get3A_1 = vector.load %arg1[%get3A, %get3A_0] : memref<512x128xi32, #tpu.memory_space<vmem>>, vector<512x128xi32>
    %get3A_2 = arith.constant 0 : index
    %get3A_3 = arith.constant 0 : index
    %get3A_4 = vector.load %arg2[%get3A_2, %get3A_3] : memref<512x128xi32, #tpu.memory_space<vmem>>, vector<512x128xi32>
    %shift_left3A = arith.constant 16 : i32
    %shift_left3A_5 = vector.broadcast %shift_left3A : i32 to vector<512x128xi32>
    %shift_left3A_6 = arith.shli %get3A_1, %shift_left3A_5 : vector<512x128xi32>
    %bitcast_convert_type3A = tpu.bitcast %shift_left3A_6 : vector<512x128xi32> -> vector<512x128xf32>
    %shift_left3A_7 = arith.constant 16 : i32
    %shift_left3A_8 = vector.broadcast %shift_left3A_7 : i32 to vector<512x128xi32>
    %shift_left3A_9 = arith.shli %get3A_4, %shift_left3A_8 : vector<512x128xi32>
    %bitcast_convert_type3A_10 = tpu.bitcast %shift_left3A_9 : vector<512x128xi32> -> vector<512x128xf32>
    %sub3A = arith.subf %bitcast_convert_type3A, %bitcast_convert_type3A_10 : vector<512x128xf32>
    %and3A = arith.constant -65536 : i32
    %and3A_11 = vector.broadcast %and3A : i32 to vector<512x128xi32>
    %and3A_12 = arith.andi %get3A_1, %and3A_11 : vector<512x128xi32>
    %bitcast_convert_type3A_13 = tpu.bitcast %and3A_12 : vector<512x128xi32> -> vector<512x128xf32>
    %and3A_14 = arith.constant -65536 : i32
    %and3A_15 = vector.broadcast %and3A_14 : i32 to vector<512x128xi32>
    %and3A_16 = arith.andi %get3A_4, %and3A_15 : vector<512x128xi32>
    %bitcast_convert_type3A_17 = tpu.bitcast %and3A_16 : vector<512x128xi32> -> vector<512x128xf32>
    %sub3A_18 = arith.subf %bitcast_convert_type3A_13, %bitcast_convert_type3A_17 : vector<512x128xf32>
    %get3A_19 = arith.constant 0 : index
    %get3A_20 = arith.constant 0 : index
    %get3A_21 = vector.load %arg3[%get3A_19, %get3A_20] : memref<512x128xf32, #tpu.memory_space<vmem>>, vector<512x128xf32>
    %get3A_22 = arith.constant 0 : index
    %get3A_23 = arith.constant 0 : index
    %get3A_24 = vector.load %arg5[%get3A_22, %get3A_23] : memref<1x128xf32, #tpu.memory_space<vmem>>, vector<1x128xf32>
    %add3A = vector.broadcast %get3A_24 : vector<1x128xf32> to vector<512x128xf32>
    %add3A_25 = arith.addf %sub3A, %add3A : vector<512x128xf32>
    %mul3A = arith.constant 0.999994993 : f32
    %mul3A_26 = vector.broadcast %mul3A : f32 to vector<512x128xf32>
    %mul3A_27 = arith.mulf %add3A_25, %mul3A_26 : vector<512x128xf32>
    %max3A = arith.constant 0.000000e+00 : f32
    %max3A_28 = vector.broadcast %max3A : f32 to vector<512x128xf32>
    %max3A_29 = arith.maximumf %mul3A_27, %max3A_28 : vector<512x128xf32>
    %get3A_30 = arith.constant 0 : index
    %get3A_31 = arith.constant 0 : index
    %get3A_32 = vector.load %arg4[%get3A_30, %get3A_31] : memref<128x128xf32, #tpu.memory_space<vmem>>, vector<128x128xf32>
    %dot_general3A = arith.constant dense<0.000000e+00> : vector<512x128xf32>
    %dot_general3A_33 = tpu.matmul %max3A_29, %get3A_32, %dot_general3A {dimension_numbers = #tpu.dot_dimension_numbers<[1], [0], [0], [1], [0, 0, 1, 1], [], []>, transpose_lhs_hint = false} : vector<512x128xf32>, vector<128x128xf32>, vector<512x128xf32> -> vector<512x128xf32>
    %get3A_34 = arith.constant 0 : index
    %get3A_35 = arith.constant 0 : index
    %get3A_36 = vector.load %arg6[%get3A_34, %get3A_35] : memref<1x128xf32, #tpu.memory_space<vmem>>, vector<1x128xf32>
    %add3A_37 = vector.broadcast %get3A_36 : vector<1x128xf32> to vector<512x128xf32>
    %add3A_38 = arith.addf %dot_general3A_33, %add3A_37 : vector<512x128xf32>
    %mul3A_39 = arith.constant 0.999994993 : f32
    %mul3A_40 = vector.broadcast %mul3A_39 : f32 to vector<512x128xf32>
    %mul3A_41 = arith.mulf %add3A_38, %mul3A_40 : vector<512x128xf32>
    %max3A_42 = arith.constant 0.000000e+00 : f32
    %max3A_43 = vector.broadcast %max3A_42 : f32 to vector<512x128xf32>
    %max3A_44 = arith.maximumf %mul3A_41, %max3A_43 : vector<512x128xf32>
    %add3A_45 = arith.addf %sub3A_18, %max3A_44 : vector<512x128xf32>
    %get3A_46 = arith.constant 0 : index
    %get3A_47 = arith.constant 0 : index
    %get3A_48 = vector.load %arg7[%get3A_46, %get3A_47] : memref<128x128xf32, #tpu.memory_space<vmem>>, vector<128x128xf32>
    %dot_general3A_49 = arith.constant dense<0.000000e+00> : vector<512x128xf32>
    %dot_general3A_50 = tpu.matmul %add3A_45, %get3A_48, %dot_general3A_49 {dimension_numbers = #tpu.dot_dimension_numbers<[1], [0], [0], [1], [0, 0, 1, 1], [], []>, transpose_lhs_hint = false} : vector<512x128xf32>, vector<128x128xf32>, vector<512x128xf32> -> vector<512x128xf32>
    %get3A_51 = arith.constant 0 : index
    %get3A_52 = arith.constant 0 : index
    %get3A_53 = vector.load %arg8[%get3A_51, %get3A_52] : memref<1x128xf32, #tpu.memory_space<vmem>>, vector<1x128xf32>
    %add3A_54 = vector.broadcast %get3A_53 : vector<1x128xf32> to vector<512x128xf32>
    %add3A_55 = arith.addf %dot_general3A_50, %add3A_54 : vector<512x128xf32>
    %mul3A_56 = arith.constant 0.999994993 : f32
    %mul3A_57 = vector.broadcast %mul3A_56 : f32 to vector<512x128xf32>
    %mul3A_58 = arith.mulf %add3A_55, %mul3A_57 : vector<512x128xf32>
    %max3A_59 = arith.constant 0.000000e+00 : f32
    %max3A_60 = vector.broadcast %max3A_59 : f32 to vector<512x128xf32>
    %max3A_61 = arith.maximumf %mul3A_58, %max3A_60 : vector<512x128xf32>
    %get3A_62 = arith.constant 0 : index
    %get3A_63 = arith.constant 0 : index
    %get3A_64 = vector.load %arg9[%get3A_62, %get3A_63] : memref<128x128xf32, #tpu.memory_space<vmem>>, vector<128x128xf32>
    %dot_general3A_65 = arith.constant dense<0.000000e+00> : vector<512x128xf32>
    %dot_general3A_66 = tpu.matmul %max3A_61, %get3A_64, %dot_general3A_65 {dimension_numbers = #tpu.dot_dimension_numbers<[1], [0], [0], [1], [0, 0, 1, 1], [], []>, transpose_lhs_hint = false} : vector<512x128xf32>, vector<128x128xf32>, vector<512x128xf32> -> vector<512x128xf32>
    %get3A_67 = arith.constant 0 : index
    %get3A_68 = arith.constant 0 : index
    %get3A_69 = vector.load %arg10[%get3A_67, %get3A_68] : memref<1x128xf32, #tpu.memory_space<vmem>>, vector<1x128xf32>
    %add3A_70 = vector.broadcast %get3A_69 : vector<1x128xf32> to vector<512x128xf32>
    %add3A_71 = arith.addf %dot_general3A_66, %add3A_70 : vector<512x128xf32>
    %mul3A_72 = arith.constant 0.999994993 : f32
    %mul3A_73 = vector.broadcast %mul3A_72 : f32 to vector<512x128xf32>
    %mul3A_74 = arith.mulf %add3A_71, %mul3A_73 : vector<512x128xf32>
    %max3A_75 = arith.constant 0.000000e+00 : f32
    %max3A_76 = vector.broadcast %max3A_75 : f32 to vector<512x128xf32>
    %max3A_77 = arith.maximumf %mul3A_74, %max3A_76 : vector<512x128xf32>
    %exp3A = math.exp %max3A_77 : vector<512x128xf32>
    %add3A_78 = arith.addf %get3A_21, %max3A_44 : vector<512x128xf32>
    %mul3A_79 = arith.mulf %exp3A, %add3A_78 : vector<512x128xf32>
    %swap3A = arith.constant 0 : index
    %swap3A_80 = arith.constant 0 : index
    %swap3A_81 = vector.load %arg11[%swap3A, %swap3A_80] : memref<512x128xf32, #tpu.memory_space<vmem>>, vector<512x128xf32>
    tpu.vector_store %arg11[%swap3A, %swap3A_80], %exp3A {strides = array<i32>} : memref<512x128xf32, #tpu.memory_space<vmem>>, vector<512x128xf32>,
    %swap3A_82 = arith.constant 0 : index
    %swap3A_83 = arith.constant 0 : index
    %swap3A_84 = vector.load %arg12[%swap3A_82, %swap3A_83] : memref<512x128xf32, #tpu.memory_space<vmem>>, vector<512x128xf32>
    tpu.vector_store %arg12[%swap3A_82, %swap3A_83], %mul3A_79 {strides = array<i32>} : memref<512x128xf32, #tpu.memory_space<vmem>>, vector<512x128xf32>,
    return
  }
  func.func @transform_0(%arg0: i32) -> (i32, i32) {
    %c0_i32 = arith.constant 0 : i32
    %c0_i32_0 = arith.constant 0 : i32
    return %arg0, %c0_i32 : i32, i32
  }
  func.func @transform_1(%arg0: i32) -> (i32, i32) {
    %c0_i32 = arith.constant 0 : i32
    %c0_i32_0 = arith.constant 0 : i32
    return %arg0, %c0_i32 : i32, i32
  }
  func.func @transform_2(%arg0: i32) -> (i32, i32) {
    %c0_i32 = arith.constant 0 : i32
    %c0_i32_0 = arith.constant 0 : i32
    return %arg0, %c0_i32 : i32, i32
  }
  func.func @transform_3(%arg0: i32) -> (i32, i32) {
    %c0_i32 = arith.constant 0 : i32
    %c0_i32_0 = arith.constant 0 : i32
    %c0_i32_1 = arith.constant 0 : i32
    return %c0_i32, %c0_i32_0 : i32, i32
  }
  func.func @transform_4(%arg0: i32) -> (i32, i32) {
    %c0_i32 = arith.constant 0 : i32
    %c0_i32_0 = arith.constant 0 : i32
    %c0_i32_1 = arith.constant 0 : i32
    return %c0_i32, %c0_i32_0 : i32, i32
  }
  func.func @transform_5(%arg0: i32) -> (i32, i32) {
    %c0_i32 = arith.constant 0 : i32
    %c0_i32_0 = arith.constant 0 : i32
    %c0_i32_1 = arith.constant 0 : i32
    return %c0_i32, %c0_i32_0 : i32, i32
  }
  func.func @transform_6(%arg0: i32) -> (i32, i32) {
    %c0_i32 = arith.constant 0 : i32
    %c0_i32_0 = arith.constant 0 : i32
    %c0_i32_1 = arith.constant 0 : i32
    return %c0_i32, %c0_i32_0 : i32, i32
  }
  func.func @transform_7(%arg0: i32) -> (i32, i32) {
    %c0_i32 = arith.constant 0 : i32
    %c0_i32_0 = arith.constant 0 : i32
    %c0_i32_1 = arith.constant 0 : i32
    return %c0_i32, %c0_i32_0 : i32, i32
  }
  func.func @transform_8(%arg0: i32) -> (i32, i32) {
    %c0_i32 = arith.constant 0 : i32
    %c0_i32_0 = arith.constant 0 : i32
    %c0_i32_1 = arith.constant 0 : i32
    return %c0_i32, %c0_i32_0 : i32, i32
  }
  func.func @transform_9(%arg0: i32) -> (i32, i32) {
    %c0_i32 = arith.constant 0 : i32
    %c0_i32_0 = arith.constant 0 : i32
    %c0_i32_1 = arith.constant 0 : i32
    return %c0_i32, %c0_i32_0 : i32, i32
  }
  func.func @transform_10(%arg0: i32) -> (i32, i32) {
    %c0_i32 = arith.constant 0 : i32
    %c0_i32_0 = arith.constant 0 : i32
    return %arg0, %c0_i32 : i32, i32
  }
  func.func @transform_11(%arg0: i32) -> (i32, i32) {
    %c0_i32 = arith.constant 0 : i32
    %c0_i32_0 = arith.constant 0 : i32
    return %arg0, %c0_i32 : i32, i32
  }
}

module attributes {stable_mosaic.version = 14 : i64} {
  func.func @_node_body(%arg0: i32, %arg1: memref<512x128xf32, #tpu.memory_space<vmem>>, %arg2: memref<512x8xf32, #tpu.memory_space<vmem>>, %arg3: memref<128x128xf32, #tpu.memory_space<vmem>>, %arg4: memref<128x128xf32, #tpu.memory_space<vmem>>, %arg5: memref<128x128xf32, #tpu.memory_space<vmem>>, %arg6: memref<8x128xf32, #tpu.memory_space<vmem>>, %arg7: memref<512x128xi32, #tpu.memory_space<vmem>>, %arg8: memref<512x128xi32, #tpu.memory_space<vmem>>, %arg9: memref<512x128xf32, #tpu.memory_space<vmem>>) attributes {dimension_semantics = [#tpu.dimension_semantics<arbitrary>], iteration_bounds = array<i64: 20>, scalar_prefetch = 0 : i64, scratch_operands = 0 : i64, tpu.core_type = #tpu.core_type<tc>, window_params = [{transform_indices = @transform_0, window_bounds = array<i64: 512, 128>}, {transform_indices = @transform_1, window_bounds = array<i64: 512, 8>}, {pipeline_mode = #tpu.pipeline_mode<synchronous>, transform_indices = @transform_2, window_bounds = array<i64: 128, 128>}, {pipeline_mode = #tpu.pipeline_mode<synchronous>, transform_indices = @transform_3, window_bounds = array<i64: 128, 128>}, {pipeline_mode = #tpu.pipeline_mode<synchronous>, transform_indices = @transform_4, window_bounds = array<i64: 128, 128>}, {pipeline_mode = #tpu.pipeline_mode<synchronous>, transform_indices = @transform_5, window_bounds = array<i64: 8, 128>}, {transform_indices = @transform_6, window_bounds = array<i64: 512, 128>}, {transform_indices = @transform_7, window_bounds = array<i64: 512, 128>}, {transform_indices = @transform_8, window_bounds = array<i64: 512, 128>}]} {
    %get3A = arith.constant 0 : index
    %get3A_0 = arith.constant 0 : index
    %get3A_1 = vector.load %arg1[%get3A, %get3A_0] : memref<512x128xf32, #tpu.memory_space<vmem>>, vector<512x128xf32>
    %get3A_2 = arith.constant 0 : index
    %get3A_3 = arith.constant 0 : index
    %get3A_4 = vector.load %arg2[%get3A_2, %get3A_3] : memref<512x8xf32, #tpu.memory_space<vmem>>, vector<512x8xf32>
    %get3A_5 = arith.constant 0 : index
    %get3A_6 = arith.constant 0 : index
    %get3A_7 = vector.load %arg6[%get3A_5, %get3A_6] : memref<8x128xf32, #tpu.memory_space<vmem>>, vector<8x128xf32>
    %dot_general3A = arith.constant dense<0.000000e+00> : vector<512x128xf32>
    %dot_general3A_8 = tpu.matmul %get3A_4, %get3A_7, %dot_general3A {dimension_numbers = #tpu.dot_dimension_numbers<[1], [0], [0], [1], [0, 0, 1, 1], [], []>, transpose_lhs_hint = false} : vector<512x8xf32>, vector<8x128xf32>, vector<512x128xf32> -> vector<512x128xf32>
    %get3A_9 = arith.constant 0 : index
    %get3A_10 = arith.constant 0 : index
    %get3A_11 = vector.load %arg4[%get3A_9, %get3A_10] : memref<128x128xf32, #tpu.memory_space<vmem>>, vector<128x128xf32>
    %dot_general3A_12 = arith.constant dense<0.000000e+00> : vector<512x128xf32>
    %dot_general3A_13 = tpu.matmul %get3A_1, %get3A_11, %dot_general3A_12 {dimension_numbers = #tpu.dot_dimension_numbers<[1], [0], [0], [1], [0, 0, 1, 1], [], []>, transpose_lhs_hint = false} : vector<512x128xf32>, vector<128x128xf32>, vector<512x128xf32> -> vector<512x128xf32>
    %get3A_14 = arith.constant 0 : index
    %get3A_15 = arith.constant 0 : index
    %get3A_16 = vector.load %arg3[%get3A_14, %get3A_15] : memref<128x128xf32, #tpu.memory_space<vmem>>, vector<128x128xf32>
    %dot_general3A_17 = arith.constant dense<0.000000e+00> : vector<512x128xf32>
    %dot_general3A_18 = tpu.matmul %get3A_1, %get3A_16, %dot_general3A_17 {dimension_numbers = #tpu.dot_dimension_numbers<[1], [0], [0], [1], [0, 0, 1, 1], [], []>, transpose_lhs_hint = false} : vector<512x128xf32>, vector<128x128xf32>, vector<512x128xf32> -> vector<512x128xf32>
    %get3A_19 = arith.constant 0 : index
    %get3A_20 = arith.constant 0 : index
    %get3A_21 = vector.load %arg5[%get3A_19, %get3A_20] : memref<128x128xf32, #tpu.memory_space<vmem>>, vector<128x128xf32>
    %dot_general3A_22 = arith.constant dense<0.000000e+00> : vector<512x128xf32>
    %dot_general3A_23 = tpu.matmul %get3A_1, %get3A_21, %dot_general3A_22 {dimension_numbers = #tpu.dot_dimension_numbers<[1], [0], [0], [1], [0, 0, 1, 1], [], []>, transpose_lhs_hint = false} : vector<512x128xf32>, vector<128x128xf32>, vector<512x128xf32> -> vector<512x128xf32>
    %bitcast_convert_type3A = tpu.bitcast %dot_general3A_8 : vector<512x128xf32> -> vector<512x128xi32>
    %add3A = arith.constant 32768 : i32
    %add3A_24 = vector.broadcast %add3A : i32 to vector<512x128xi32>
    %add3A_25 = arith.addi %bitcast_convert_type3A, %add3A_24 : vector<512x128xi32>
    %bitcast_convert_type3A_26 = tpu.bitcast %dot_general3A_13 : vector<512x128xf32> -> vector<512x128xi32>
    %add3A_27 = arith.constant 32768 : i32
    %add3A_28 = vector.broadcast %add3A_27 : i32 to vector<512x128xi32>
    %add3A_29 = arith.addi %bitcast_convert_type3A_26, %add3A_28 : vector<512x128xi32>
    %bitcast_convert_type3A_30 = tpu.bitcast %dot_general3A_18 : vector<512x128xf32> -> vector<512x128xi32>
    %add3A_31 = arith.constant 32768 : i32
    %add3A_32 = vector.broadcast %add3A_31 : i32 to vector<512x128xi32>
    %add3A_33 = arith.addi %bitcast_convert_type3A_30, %add3A_32 : vector<512x128xi32>
    %shift_right_logical3A = arith.constant 16 : i32
    %shift_right_logical3A_34 = vector.broadcast %shift_right_logical3A : i32 to vector<512x128xi32>
    %shift_right_logical3A_35 = arith.shrui %add3A_25, %shift_right_logical3A_34 : vector<512x128xi32>
    %and3A = arith.constant -65536 : i32
    %and3A_36 = vector.broadcast %and3A : i32 to vector<512x128xi32>
    %and3A_37 = arith.andi %add3A_29, %and3A_36 : vector<512x128xi32>
    %or3A = arith.ori %shift_right_logical3A_35, %and3A_37 : vector<512x128xi32>
    %swap3A = arith.constant 0 : index
    %swap3A_38 = arith.constant 0 : index
    %swap3A_39 = vector.load %arg7[%swap3A, %swap3A_38] : memref<512x128xi32, #tpu.memory_space<vmem>>, vector<512x128xi32>
    tpu.vector_store %arg7[%swap3A, %swap3A_38], %or3A {strides = array<i32>} : memref<512x128xi32, #tpu.memory_space<vmem>>, vector<512x128xi32>,
    %shift_right_logical3A_40 = arith.constant 16 : i32
    %shift_right_logical3A_41 = vector.broadcast %shift_right_logical3A_40 : i32 to vector<512x128xi32>
    %shift_right_logical3A_42 = arith.shrui %add3A_25, %shift_right_logical3A_41 : vector<512x128xi32>
    %and3A_43 = arith.constant -65536 : i32
    %and3A_44 = vector.broadcast %and3A_43 : i32 to vector<512x128xi32>
    %and3A_45 = arith.andi %add3A_33, %and3A_44 : vector<512x128xi32>
    %or3A_46 = arith.ori %shift_right_logical3A_42, %and3A_45 : vector<512x128xi32>
    %swap3A_47 = arith.constant 0 : index
    %swap3A_48 = arith.constant 0 : index
    %swap3A_49 = vector.load %arg8[%swap3A_47, %swap3A_48] : memref<512x128xi32, #tpu.memory_space<vmem>>, vector<512x128xi32>
    tpu.vector_store %arg8[%swap3A_47, %swap3A_48], %or3A_46 {strides = array<i32>} : memref<512x128xi32, #tpu.memory_space<vmem>>, vector<512x128xi32>,
    %swap3A_50 = arith.constant 0 : index
    %swap3A_51 = arith.constant 0 : index
    %swap3A_52 = vector.load %arg9[%swap3A_50, %swap3A_51] : memref<512x128xf32, #tpu.memory_space<vmem>>, vector<512x128xf32>
    tpu.vector_store %arg9[%swap3A_50, %swap3A_51], %dot_general3A_23 {strides = array<i32>} : memref<512x128xf32, #tpu.memory_space<vmem>>, vector<512x128xf32>,
    return
  }
  func.func @transform_0(%arg0: i32) -> (i32, i32) {
    %c0_i32 = arith.constant 0 : i32
    %c0_i32_0 = arith.constant 0 : i32
    return %arg0, %c0_i32 : i32, i32
  }
  func.func @transform_1(%arg0: i32) -> (i32, i32) {
    %c0_i32 = arith.constant 0 : i32
    %c0_i32_0 = arith.constant 0 : i32
    return %arg0, %c0_i32 : i32, i32
  }
  func.func @transform_2(%arg0: i32) -> (i32, i32) {
    %c0_i32 = arith.constant 0 : i32
    %c0_i32_0 = arith.constant 0 : i32
    %c0_i32_1 = arith.constant 0 : i32
    return %c0_i32, %c0_i32_0 : i32, i32
  }
  func.func @transform_3(%arg0: i32) -> (i32, i32) {
    %c0_i32 = arith.constant 0 : i32
    %c0_i32_0 = arith.constant 0 : i32
    %c0_i32_1 = arith.constant 0 : i32
    return %c0_i32, %c0_i32_0 : i32, i32
  }
  func.func @transform_4(%arg0: i32) -> (i32, i32) {
    %c0_i32 = arith.constant 0 : i32
    %c0_i32_0 = arith.constant 0 : i32
    %c0_i32_1 = arith.constant 0 : i32
    return %c0_i32, %c0_i32_0 : i32, i32
  }
  func.func @transform_5(%arg0: i32) -> (i32, i32) {
    %c0_i32 = arith.constant 0 : i32
    %c0_i32_0 = arith.constant 0 : i32
    %c0_i32_1 = arith.constant 0 : i32
    return %c0_i32, %c0_i32_0 : i32, i32
  }
  func.func @transform_6(%arg0: i32) -> (i32, i32) {
    %c0_i32 = arith.constant 0 : i32
    %c0_i32_0 = arith.constant 0 : i32
    return %arg0, %c0_i32 : i32, i32
  }
  func.func @transform_7(%arg0: i32) -> (i32, i32) {
    %c0_i32 = arith.constant 0 : i32
    %c0_i32_0 = arith.constant 0 : i32
    return %arg0, %c0_i32 : i32, i32
  }
  func.func @transform_8(%arg0: i32) -> (i32, i32) {
    %c0_i32 = arith.constant 0 : i32
    %c0_i32_0 = arith.constant 0 : i32
    return %arg0, %c0_i32 : i32, i32
  }
}

module attributes {stable_mosaic.version = 14 : i64} {
  func.func @_final_body(%arg0: i32, %arg1: memref<512x128xf32, #tpu.memory_space<vmem>>, %arg2: memref<512x128xf32, #tpu.memory_space<vmem>>, %arg3: memref<512x128xf32, #tpu.memory_space<vmem>>, %arg4: memref<128x128xf32, #tpu.memory_space<vmem>>, %arg5: memref<1x128xf32, #tpu.memory_space<vmem>>, %arg6: memref<512x128xf32, #tpu.memory_space<vmem>>) attributes {dimension_semantics = [#tpu.dimension_semantics<arbitrary>], iteration_bounds = array<i64: 20>, scalar_prefetch = 0 : i64, scratch_operands = 0 : i64, tpu.core_type = #tpu.core_type<tc>, window_params = [{transform_indices = @transform_0, window_bounds = array<i64: 512, 128>}, {transform_indices = @transform_1, window_bounds = array<i64: 512, 128>}, {transform_indices = @transform_2, window_bounds = array<i64: 512, 128>}, {pipeline_mode = #tpu.pipeline_mode<synchronous>, transform_indices = @transform_3, window_bounds = array<i64: 128, 128>}, {pipeline_mode = #tpu.pipeline_mode<synchronous>, transform_indices = @transform_4, window_bounds = array<i64: 1, 128>}, {transform_indices = @transform_5, window_bounds = array<i64: 512, 128>}]} {
    %get3A = arith.constant 0 : index
    %get3A_0 = arith.constant 0 : index
    %get3A_1 = vector.load %arg1[%get3A, %get3A_0] : memref<512x128xf32, #tpu.memory_space<vmem>>, vector<512x128xf32>
    %get3A_2 = arith.constant 0 : index
    %get3A_3 = arith.constant 0 : index
    %get3A_4 = vector.load %arg2[%get3A_2, %get3A_3] : memref<512x128xf32, #tpu.memory_space<vmem>>, vector<512x128xf32>
    %add3A = arith.constant 1.000000e-16 : f32
    %add3A_5 = vector.broadcast %add3A : f32 to vector<512x128xf32>
    %add3A_6 = arith.addf %get3A_4, %add3A_5 : vector<512x128xf32>
    %div3A = arith.divf %get3A_1, %add3A_6 : vector<512x128xf32>
    %get3A_7 = arith.constant 0 : index
    %get3A_8 = arith.constant 0 : index
    %get3A_9 = vector.load %arg4[%get3A_7, %get3A_8] : memref<128x128xf32, #tpu.memory_space<vmem>>, vector<128x128xf32>
    %dot_general3A = arith.constant dense<0.000000e+00> : vector<512x128xf32>
    %dot_general3A_10 = tpu.matmul %div3A, %get3A_9, %dot_general3A {dimension_numbers = #tpu.dot_dimension_numbers<[1], [0], [0], [1], [0, 0, 1, 1], [], []>, transpose_lhs_hint = false} : vector<512x128xf32>, vector<128x128xf32>, vector<512x128xf32> -> vector<512x128xf32>
    %get3A_11 = arith.constant 0 : index
    %get3A_12 = arith.constant 0 : index
    %get3A_13 = vector.load %arg5[%get3A_11, %get3A_12] : memref<1x128xf32, #tpu.memory_space<vmem>>, vector<1x128xf32>
    %add3A_14 = vector.broadcast %get3A_13 : vector<1x128xf32> to vector<512x128xf32>
    %add3A_15 = arith.addf %dot_general3A_10, %add3A_14 : vector<512x128xf32>
    %get3A_16 = arith.constant 0 : index
    %get3A_17 = arith.constant 0 : index
    %get3A_18 = vector.load %arg3[%get3A_16, %get3A_17] : memref<512x128xf32, #tpu.memory_space<vmem>>, vector<512x128xf32>
    %add3A_19 = arith.addf %add3A_15, %get3A_18 : vector<512x128xf32>
    %swap3A = arith.constant 0 : index
    %swap3A_20 = arith.constant 0 : index
    %swap3A_21 = vector.load %arg6[%swap3A, %swap3A_20] : memref<512x128xf32, #tpu.memory_space<vmem>>, vector<512x128xf32>
    tpu.vector_store %arg6[%swap3A, %swap3A_20], %add3A_19 {strides = array<i32>} : memref<512x128xf32, #tpu.memory_space<vmem>>, vector<512x128xf32>,
    return
  }
  func.func @transform_0(%arg0: i32) -> (i32, i32) {
    %c0_i32 = arith.constant 0 : i32
    %c0_i32_0 = arith.constant 0 : i32
    return %arg0, %c0_i32 : i32, i32
  }
  func.func @transform_1(%arg0: i32) -> (i32, i32) {
    %c0_i32 = arith.constant 0 : i32
    %c0_i32_0 = arith.constant 0 : i32
    return %arg0, %c0_i32 : i32, i32
  }
  func.func @transform_2(%arg0: i32) -> (i32, i32) {
    %c0_i32 = arith.constant 0 : i32
    %c0_i32_0 = arith.constant 0 : i32
    return %arg0, %c0_i32 : i32, i32
  }
  func.func @transform_3(%arg0: i32) -> (i32, i32) {
    %c0_i32 = arith.constant 0 : i32
    %c0_i32_0 = arith.constant 0 : i32
    %c0_i32_1 = arith.constant 0 : i32
    return %c0_i32, %c0_i32_0 : i32, i32
  }
  func.func @transform_4(%arg0: i32) -> (i32, i32) {
    %c0_i32 = arith.constant 0 : i32
    %c0_i32_0 = arith.constant 0 : i32
    %c0_i32_1 = arith.constant 0 : i32
    return %c0_i32, %c0_i32_0 : i32, i32
  }
  func.func @transform_5(%arg0: i32) -> (i32, i32) {
    %c0_i32 = arith.constant 0 : i32
    %c0_i32_0 = arith.constant 0 : i32
    return %arg0, %c0_i32 : i32, i32
  }
}

</mosaic_0001>

<sc_bundles>
// kernel: kernel.10.cloned.1.call-start
scs
__scs_entry_jumppad:
0x0: {  	(pc) =	sbr.rel $0x88, $3  }
0x1: {  	(tag) =	ssettag $0x0;
	lr =	simm.s32 $0x1  }
0x2: {  	[smem:$0x3F91] =	sst lr;
	_ =	strace $0xD0000000  }
0x3: {  	_ = 	snop  }
0x4: {  	_ = 	snop  }
0x5: {  	_ = 	snop  }
0x6: {  	_ = 	snop  }
0x7: {  	_ = 	snop  }
__scs_overlays_trampoline_lowered:
0x8: {  	[smem:$0x3FA0] =	sst s0  }
0x9: {  	[smem:$0x3FA1] =	sst s1  }
0xa: {  	[smem:$0x3FA2] =	sst s2  }
0xb: {  	[smem:$0x3FA3] =	sst s3  }
0xc: {  	[smem:$0x3FA4] =	sst s4  }
0xd: {  	[smem:$0x3FA5] =	sst s5  }
0xe: {  	[smem:$0x3FA6] =	sst s6  }
0xf: {  	[smem:$0x3FA7] =	sst s7  }
0x10: {  	[smem:$0x3FA8] =	sst s8  }
0x11: {  	[smem:$0x3FA9] =	sst s9;
	s0 =	simm.s32 @!p0 $0x0  }
0x12: {  	s1 =	sld [smem:$0x3F8F];
	s0 =	simm.s32 @p0 $0x1  }
0x13: {  	[smem:$0x3FAA] =	sst s0;
	s0 =	simm.s32 @!p1 $0x0  }
0x14: {  	s2 =	sld [smem:$0x3F8E];
	s0 =	simm.s32 @p1 $0x1  }
0x15: {  	[smem:$0x3FAB] =	sst s0;
	s0 =	simm.s32 @!p2 $0x0  }
0x16: {  	s3 =	sld [smem:$0x3FDB];
	s0 =	simm.s32 @p2 $0x1  }
0x17: {  	s4 =	simm.s32 $0x1BF5;
	[smem:$0x3FAD] =	sst s0  }
0x18: {  	s0 =	sld [smem:$0x3F90];
	_ =	swait.ge [sflag:s4], $0x0  }
0x19: {  	s7 =	sld [smem:$0x3F91]  }
0x1a: {  	s8 =	sadd.s32 $0xFFFFE003, lr  }
0x1b: {  	s9 =	sadd.s32 $0xFFFFFEF7, lr;
	s5 =	simm.s32 $0xFFFFFFFF;
	p2 =	slt.u32 s8, $0xFFFFF086  }
0x1c: {  	p1 =	slt.u32 s9, $0xF7A;
	s5 =	simm.s32 @!p2 $0x0  }
0x1d: {  	s5 =	simm.s32 @p1 $0x1;
	p0 =	seq.s32 s7, s2  }
0x1e: {  	s7 =	smul.u32 @!p0 $0xF7A, s2;
	p2 =	seq.s32 @!p0 s5, $0x0  }
0x1f: {  	s9 =	smul.u32 $0xF7A, s1;
	s8 =	simm.s32 @!p0 $0x1BF5;
	p2 =	por !p2, p0  }
0x20: {  	[sflag:s8] =	ssyncset.s32 @!p0 $0xFFFFF086;
	s6 =	sadd.s32 @!p0 s3, s7;
	s7 =	simm.s32 @!p0 $0x108  }
0x21: {  	s3 =	sadd.s32 s3, s9;
	s6 =	sadd.s32 @!p0 $0x88, s6;
	s7 =	simm.s32 @p2 $0x1082  }
0x22: {  	[simem:s7], [sflag:s8] =	dma.local @!p0 [hbm:s6], $0xF7A  }
0x23: {  	s9 =	sor.u32 $0xD0000000, s2;
	s6 =	simm.s32 $0x108;
	_ =	swait.ge @!p0 [sflag:s8], $0x0  }
0x24: {  	s3 =	sadd.s32 $0x88, s3;
	s6 =	simm.s32 @!p1 $0x1082;
	[sflag:s4] =	ssyncset.s32 $0xFFFFF086  }
0x25: {  	[simem:s6], [sflag:s4] =	dma.local [hbm:s3], $0xF7A  }
0x26: {  	[smem:$0x3F91] =	sst s1;
	(tag) =	ssettag s2;
	_ =	strace s9  }
0x27: {  	s1 =	sld [smem:$0x3FA1]  }
0x28: {  	s2 =	sld [smem:$0x3FA2]  }
0x29: {  	s4 =	sld [smem:$0x3FA4]  }
0x2a: {  	p0 =	seq.s32 s5, $0x0;
	s5 =	sld [smem:$0x3FA5]  }
0x2b: {  	s6 =	sld [smem:$0x3FA6]  }
0x2c: {  	s7 =	sld [smem:$0x3FA7]  }
0x2d: {  	s3 =	simm.s32 $0x108;
	s8 =	sld [smem:$0x3FA8]  }
0x2e: {  	s3 =	simm.s32 @!p0 $0x1082;
	s9 =	sld [smem:$0x3FA9]  }
0x2f: {  	lr =	sadd.s32 s0, s3;
	s0 =	sld [smem:$0x3FA0]  }
0x30: {  	s3 =	sld [smem:$0x3FA3]  }
0x31: {  	[smem:$0x3FAC] =	sst s10  }
0x32: {  	s10 =	sld [smem:$0x3FAA];
	_ =	sdelay $0x3  }
0x33: {  	p0 =	seq.s32 s10, $0x1;
	s10 =	sld [smem:$0x3FAC];
	_ =	sdelay $0x3  }
0x34: {  	[smem:$0x3FAC] =	sst s10  }
0x35: {  	s10 =	sld [smem:$0x3FAB];
	_ =	sdelay $0x3  }
0x36: {  	p1 =	seq.s32 s10, $0x1;
	s10 =	sld [smem:$0x3FAC];
	_ =	sdelay $0x3  }
0x37: {  	[smem:$0x3FAC] =	sst s10  }
0x38: {  	s10 =	sld [smem:$0x3FAD]  }
0x39: {  	_ = 	snop;
	(pc) =	sbr.ind lr, $3  }
0x3a: {  	_ = 	snop  }
0x3b: {  	_ = 	snop  }
0x3c: {  	p2 =	seq.s32 s10, $0x1;
	s10 =	sld [smem:$0x3FAC]  }
0x3d: {  	_ =	shalt  }
0x3e: {  	_ =	shalt  }
0x3f: {  	_ =	shalt  }
0x40: {  	_ =	shalt  }
0x41: {  	_ =	shalt  }
0x42: {  	_ =	shalt  }
0x43: {  	_ =	shalt  }
0x44: {  	_ =	shalt  }
0x45: {  	_ =	shalt  }
0x46: {  	_ =	shalt  }
0x47: {  	_ =	shalt  }
0x48: {  	_ =	shalt  }
0x49: {  	_ =	shalt  }
0x4a: {  	_ =	shalt  }
0x4b: {  	_ =	shalt  }
0x4c: {  	_ =	shalt  }
0x4d: {  	_ =	shalt  }
0x4e: {  	_ =	shalt  }
0x4f: {  	_ =	shalt  }
0x50: {  	_ =	shalt  }
0x51: {  	_ =	shalt  }
0x52: {  	_ =	shalt  }
0x53: {  	_ =	shalt  }
0x54: {  	_ =	shalt  }
0x55: {  	_ =	shalt  }
0x56: {  	_ =	shalt  }
0x57: {  	_ =	shalt  }
0x58: {  	_ =	shalt  }
0x59: {  	_ =	shalt  }
0x5a: {  	_ =	shalt  }
0x5b: {  	_ =	shalt  }
0x5c: {  	_ =	shalt  }
0x5d: {  	_ =	shalt  }
0x5e: {  	_ =	shalt  }
0x5f: {  	_ =	shalt  }
0x60: {  	_ =	shalt  }
0x61: {  	_ =	shalt  }
0x62: {  	_ =	shalt  }
0x63: {  	_ =	shalt  }
0x64: {  	_ =	shalt  }
0x65: {  	_ =	shalt  }
0x66: {  	_ =	shalt  }
0x67: {  	_ =	shalt  }
0x68: {  	_ =	shalt  }
0x69: {  	_ =	shalt  }
0x6a: {  	_ =	shalt  }
0x6b: {  	_ =	shalt  }
0x6c: {  	_ =	shalt  }
0x6d: {  	_ =	shalt  }
0x6e: {  	_ =	shalt  }
0x6f: {  	_ =	shalt  }
0x70: {  	_ =	shalt  }
0x71: {  	_ =	shalt  }
0x72: {  	_ =	shalt  }
0x73: {  	_ =	shalt  }
0x74: {  	_ =	shalt  }
0x75: {  	_ =	shalt  }
0x76: {  	_ =	shalt  }
0x77: {  	_ =	shalt  }
0x78: {  	_ =	shalt  }
0x79: {  	_ =	shalt  }
0x7a: {  	_ =	shalt  }
0x7b: {  	_ =	shalt  }
0x7c: {  	_ =	shalt  }
0x7d: {  	_ =	shalt  }
0x7e: {  	_ =	shalt  }
0x7f: {  	_ =	shalt  }
0x80: {  	_ =	shalt  }
0x81: {  	_ =	shalt  }
0x82: {  	_ =	shalt  }
0x83: {  	_ =	shalt  }
0x84: {  	_ =	shalt  }
0x85: {  	_ =	shalt  }
0x86: {  	_ =	shalt  }
0x87: {  	_ =	shalt  }
.Lfunc_end0:
.L_simem_size_0:
called_computation.1_lowered:
.L_overlay_start_0:
0x88: {  	s2 =	sld [smem:$0x3FD9]  }
0x89: {  	s3 =	sld [smem:$0x3FFE];
	_ =	sdelay $0x1  }
0x8a: {  	s1 =	srdreg.scid  }
0x8b: {  	s0 =	sand.u32 $0x1, s1  }
0x8c: {  	s17 =	sshll.u32 s0, $0xA;
	s2 =	sadd.s32 s3, s2  }
0x8d: {  	s2 =	sadd.s32 s2, s17  }
0x8e: {  	[smem:$0x3FB8] =	sst s2  }
0x8f: {  	_ = 	snop  }
0x90: {  	s2 =	sld [smem:$0x3FD0];
	(tm) =	ssettm $0x1  }
0x91: {  	s18 =	sld [smem:$0x3FFB];
	_ =	sdelay $0x3  }
0x92: {  	_ =	strace s18  }
0x93: {  	s3 =	sld [smem:$0x3FFC];
	_ =	sdelay $0x3  }
0x94: {  	_ =	strace s3  }
0x95: {  	s3 =	sld [smem:$0x3FFD];
	_ =	sdelay $0x3  }
0x96: {  	_ =	strace s3  }
0x97: {  	_ =	strace $0x8FFFFFFF  }
0x98: {  	s19 =	sld [smem:$0x3FDB];
	_ =	sdelay $0x1  }
0x99: {  	s4 =	simm.s32 $_scs_section_size  }
0x9a: {  	s5 =	simm.s32 $_size__tile_overlayer_lowered;
	s6 =	simm.s32 $_tile_overlayer_lowered  }
0x9b: {  	s22 =	simm.s32 $0x1BFF;
	s21 =	sshll.u32 s6, $0x1;
	s3 =	sadd.s32 s4, s19  }
0x9c: {  	s7 =	simm.s32 $0x0;
	s20 =	sshll.u32 s5, $0x1;
	s5 =	sadd.s32 s21, s3  }
0x9d: {  	[timem:s7], [sflag:s22] =	dma.local [hbm:s5], s20  }
0x9e: {  	_ =	swait.ge [sflag:s22], s20  }
0x9f: {  	s4 =	ssub.s32 $0x0, s20;
	[sflag:s22] =	ssyncset.done $0x0  }
0xa0: {  	[sflag:s22] =	ssyncadd.s32 s4;
	_ =	sdelay $0x1  }
0xa1: {  	s23 =	simm.s32 $0x1B8B  }
0xa2: {  	_ =	swait.ge [sflag:s23], $0x1  }
0xa3: {  	[sflag:s23] =	ssyncset.done $0x0  }
0xa4: {  	s25 =	simm.s32 $0x1B8E;
	s24 =	sld [smem:$0x3FFE];
	[sflag:s23] =	ssyncadd.s32 $0xFFFFFFFF  }
0xa5: {  	s26 =	simm.s32 $execute0_lowered;
	[smem:$0x3FD2] =	sst s25  }
0xa6: {  	s5 =	sshll.u32 s26, $0x1;
	_ =	strace $0x80000049;
	[dreg:$0x1] =	wrdreg $0xFFFFFFFF  }
0xa7: {  	s28 =	simm.s32 $_size_execute0_lowered;
	s3 =	sadd.s32 s3, s5;
	[dreg:$0x0] =	wrdreg $0x0  }
0xa8: {  	s5 =	sshll.u32 s28, $0x1;
	[dreg:$0x2] =	wrdreg s3  }
0xa9: {  	[dreg:$0x3] =	wrdreg s5  }
0xaa: {  	[dreg:$0x4] =	wrdreg $0xC0  }
0xab: {  	_ =	task [dreg:s7], $0x5FFFF  }
0xac: {  	[dreg:$0x1] =	wrdreg $0xFFFFFFFF  }
0xad: {  	[dreg:$0x0] =	wrdreg $0x60  }
0xae: {  	[dreg:$0x2] =	wrdreg s2  }
0xaf: {  	[dreg:$0x3] =	wrdreg s24  }
0xb0: {  	[dreg:$0x4] =	wrdreg $0x81000  }
0xb1: {  	[dreg:$0x5] =	wrdreg $0x9  }
0xb2: {  	_ =	task.clear_ibuf [dreg:s7], $0x6FFFF;
	_ =	strace $0x90000049  }
0xb3: {  	s29 =	simm.s32 $0x9;
	_ =	strace $0x8000004B  }
0xb4: {  	_ =	swait.ge [sflag:s29], $0x1  }
0xb5: {  	[sflag:s29] =	ssyncadd.s32 $0xFFFFFFFF  }
0xb6: {  	_ =	strace $0x9000004B  }
0xb7: {  	_ =	sfence  }
0xb8: {  	s30 =	sld [smem:$0x0];
	_ =	sdelay $0x2  }
0xb9: {  	s31 =	sshll.u32 s1, $0xD;
	s1 =	sshrl.u32 s1, $0x2  }
0xba: {  	s3 =	sand.u32 $0x4000, s31;
	s1 =	sadd.s32 s1, s30  }
0xbb: {  	s0 =	sor.u32 s3, s0;
	s1 =	sshll.u32 s1, $0x11  }
0xbc: {  	s0 =	sor.u32 s1, s0  }
0xbd: {  	s0 =	sadd.s32 $0x8F2B, s0  }
0xbe: {  	[sflag:s0] =	ssyncadd.remote.s32 $0x1  }
0xbf: {  	_ =	sfence.sel $0xFFFF  }
0xc0: {  	[dreg:$0x0] =	wrdreg $0xFFFFFFFF;
	(pc) =	sbr.abs _section_cstart, $3  }
0xc1: {  	[dreg:$0x1] =	wrdreg $0xFFFFFFFF  }
0xc2: {  	_ =	task.clear_ibuf [dreg:s7], $0x2FFFF;
	_ =	strace $0x9FFFFFFF  }
0xc3: {  	(tm) =	ssettm $0x7FFFFFFF  }
tec
execute0_lowered:
.L_overlay_start_1:
0x0: {  	(tag) =	ssettag $0x1  }
0x1: {  	s21 =	rddreg [dreg:$0x0]  }
0x2: {  	s15 =	rddreg [dreg:$0x1];
	s1 =	stileid.u32  }
0x3: {  	s2 =	rddreg [dreg:$0x2];
	s5 =	smul.u32 $0x50000, s1  }
0x4: {  	s0 =	rddreg [dreg:$0x3];
	s13 =	smul.u32 $0x280, s1  }
0x5: {  	s3 =	simm.s32 $0x0;
	s4 =	srdreg.scid;
	s16 =	smul.u32 $0x2800, s1  }
0x6: {  	s23 =	simm.s32 $0x2C000;
	[smem:$0x7FF] =	sst s3;
	s25 =	smul.u32 $0x51000, s1  }
0x7: {  	s10 =	sand.u32 $0x1, s4;
	s4 =	sadd.s32 $0x2B800, s15;
	s26 =	smul.u32 $0xA20, s1  }
0x8: {  	_ =	strace $0x8000004A;
	s6 =	ssub.s32 $0x2, s10;
	p1 =	seq.s32 s10, $0x1  }
0x9: {  	p0 =	seq.s32 s10, $0x0;
	s5 =	sshrl.u32 s5, $0x2;
	s7 =	sshrl.u32 s6, $0x1  }
0xa: {  	s12 =	sadd.s32 $0x80, s13;
	s14 =	sadd.s32 $0x100, s13;
	s29 =	sadd.s32 $0x180, s13  }
0xb: {  	s20 =	sadd.s32 $0x200, s13;
	s23 =	simm.s32 @!p0 $0x54000;
	s21 =	sadd.s32 s26, s21  }
0xc: {  	s5 =	sadd.s32 s5, s2;
	s11 =	ssub.s32 s6, s7;
	s28 =	sshll.u32 s12, $0x7  }
0xd: {  	s17 =	sshll.u32 s14, $0x7;
	s18 =	sshll.u32 s12, $0x4;
	s19 =	sshll.u32 s14, $0x4  }
0xe: {  	s30 =	sshll.u32 s29, $0x7;
	s22 =	sshll.u32 s29, $0x4;
	s31 =	sshll.u32 s20, $0x7  }
0xf: {  	s20 =	sshll.u32 s20, $0x4;
	s23 =	sadd.s32 s23, s15;
	s6 =	sadd.s32 $0x4000, s5  }
0x10: {  	s7 =	sadd.s32 $0x8000, s5;
	s8 =	sadd.s32 $0xC000, s5;
	s9 =	sadd.s32 $0x10000, s5  }
0x11: {  	s10 =	smax.u32 s11, $0x1;
	s12 =	sadd.s32 s17, s2;
	s17 =	simm.s32 $0xFDDA00  }
0x12: {  	s11 =	sadd.s32 s28, s2;
	s13 =	sadd.s32 s30, s2;
	s17 =	simm.s32 @!p1 $0x14EDA00  }
0x13: {  	s14 =	sadd.s32 s31, s2;
	s24 =	sadd.s32 s17, s15;
	s15 =	sadd.s32 s23, s16  }
0x14: {  	s16 =	sadd.s32 s23, s18;
	s17 =	sadd.s32 s23, s19;
	s18 =	sadd.s32 s23, s22  }
0x15: {  	s19 =	sadd.s32 s23, s20;
	s22 =	simm.s32 $0x100;
	s23 =	simm.s32 $0x1  }
0x16: {  	s20 =	sadd.s32 s25, s24;
	s24 =	simm.s32 $0x2;
	s25 =	simm.s32 $0x0  }
.LBB2_1:
0x17: {  	[tilespmem:s22], [sflag:$0x1] =	stream.linear.gather [hbm4b:s4+s3], $0x4000, $0x38;
	[tilespmem:$0x1C100] =	vst v63  }
0x18: {  	_ =	swait.ge [sflag:s23], $0x4000  }
0x19: {  	[sflag:s23] =	ssyncset.done $0x0  }
0x1a: {  	[sflag:s23] =	ssyncadd.s32 $0xFFFFC000  }
0x1b: {  	[spmem:s5] =	stream.linear.scatter [tilespmem:s22], [sflag:$0x1], $0x4000, $0x38;
	[tilespmem:$0x1C100] =	vst v63  }
0x1c: {  	_ =	swait.ge [sflag:s23], $0x4000  }
0x1d: {  	[sflag:s23] =	ssyncset.done $0x0  }
0x1e: {  	[sflag:s23] =	ssyncadd.s32 $0xFFFFC000  }
0x1f: {  	[spmem:s6] =	stream.linear.scatter [tilespmem:s22], [sflag:$0x1], $0x4000, $0x38;
	[tilespmem:$0x1C100] =	vst v63  }
0x20: {  	_ =	swait.ge [sflag:s23], $0x4000  }
0x21: {  	[sflag:s23] =	ssyncset.done $0x0  }
0x22: {  	[sflag:s23] =	ssyncadd.s32 $0xFFFFC000  }
0x23: {  	[spmem:s7] =	stream.linear.scatter [tilespmem:s22], [sflag:$0x1], $0x4000, $0x38;
	[tilespmem:$0x1C100] =	vst v63  }
0x24: {  	_ =	swait.ge [sflag:s23], $0x4000  }
0x25: {  	[sflag:s23] =	ssyncset.done $0x0  }
0x26: {  	[sflag:s23] =	ssyncadd.s32 $0xFFFFC000  }
0x27: {  	[spmem:s8] =	stream.linear.scatter [tilespmem:s22], [sflag:$0x1], $0x4000, $0x38;
	[tilespmem:$0x1C100] =	vst v63  }
0x28: {  	_ =	swait.ge [sflag:s23], $0x4000  }
0x29: {  	[sflag:s23] =	ssyncset.done $0x0  }
0x2a: {  	[sflag:s23] =	ssyncadd.s32 $0xFFFFC000  }
0x2b: {  	[spmem:s9] =	stream.linear.scatter [tilespmem:s22], [sflag:$0x1], $0x4000, $0x38;
	[tilespmem:$0x1C100] =	vst v63  }
0x2c: {  	_ =	swait.ge [sflag:s23], $0x4000  }
0x2d: {  	[sflag:s23] =	ssyncset.done $0x0  }
0x2e: {  	[sflag:s23] =	ssyncadd.s32 $0xFFFFC000  }
0x2f: {  	s26 =	sadd.s32 $0x0, s21;
	[bflag:$0x0] =	sbarrier.arrive $0xFFFF  }
0x30: {  	[tilespmem:s3], [sflag:$0x1] =	stream.linear.gather [hbm4b:s26+s3], $0x100, $0x38;
	[tilespmem:$0x1C100] =	vst v63  }
0x31: {  	_ =	swait.ge [sflag:s23], $0x100  }
0x32: {  	[sflag:s23] =	ssyncset.done $0x0  }
0x33: {  	[sflag:s23] =	ssyncadd.s32 $0xFFFFFF00  }
0x34: {  	[tilespmem:s22], [sflag:$0x1] =	stream.linear.gather [hbm4b:s20+s3], $0x8000, $0x38;
	[tilespmem:$0x1C100] =	vst v63  }
0x35: {  	_ =	swait.ge [sflag:s23], $0x8000  }
0x36: {  	[sflag:s23] =	ssyncset.done $0x0  }
0x37: {  	[sflag:s23] =	ssyncadd.s32 $0xFFFF8000  }
0x38: {  	[spmem:s2] =	stream.indirect.scatter.add.f32 [tilespmem:s22], [sflag:$0x1], $0x80, s3, s22, $0xb8;
	[tilespmem:$0x1C100] =	vst v63  }
0x39: {  	s28 =	simm.s32 $0x20;
	_ =	swait.ge [sflag:s23], $0x8000  }
0x3a: {  	s29 =	simm.s32 $0x40;
	s26 =	sadd.s32 $0x1000, s20;
	[sflag:s23] =	ssyncset.done $0x0  }
.LBB2_2:
0x3b: {  	s30 =	sadd.s32 s28, s21  }
0x3c: {  	[sflag:s23] =	ssyncadd.s32 $0xFFFF8000;
	s28 =	smov.u32 s29;
	s31 =	sadd.s32 $0x20, s29  }
0x3d: {  	[tilespmem:s3], [sflag:$0x1] =	stream.linear.gather [hbm4b:s30+s3], $0x100, $0x38;
	[tilespmem:$0x1C100] =	vst v63  }
0x3e: {  	p1 =	sne.s32 s29, $0xA00;
	_ =	swait.ge [sflag:s23], $0x100  }
0x3f: {  	[sflag:s23] =	ssyncset.done $0x0  }
0x40: {  	[sflag:s23] =	ssyncadd.s32 $0xFFFFFF00  }
0x41: {  	[tilespmem:s22], [sflag:$0x1] =	stream.linear.gather [hbm4b:s26+s3], $0x8000, $0x38;
	[tilespmem:$0x1C100] =	vst v63  }
0x42: {  	_ =	swait.ge [sflag:s23], $0x8000  }
.Ltmp0:
0x43: {  	[sflag:s23] =	ssyncset.done $0x0;
	(pc) =	sbr.rel @p1 .LBB2_2-.Ltmp0, $4  }
0x44: {  	[sflag:s23] =	ssyncadd.s32 $0xFFFF8000  }
0x45: {  	[spmem:s2] =	stream.indirect.scatter.add.f32 [tilespmem:s22], [sflag:$0x1], $0x80, s3, s22, $0xb8;
	[tilespmem:$0x1C100] =	vst v63  }
0x46: {  	_ =	swait.ge [sflag:s23], $0x8000  }
0x47: {  	s29 =	smov.u32 s31;
	s26 =	sadd.s32 $0x1000, s26;
	[sflag:s23] =	ssyncset.done $0x0  }
0x48: {  	s28 =	sadd.s32 s28, s21;
	[sflag:s23] =	ssyncadd.s32 $0xFFFF8000  }
0x49: {  	[tilespmem:s3], [sflag:$0x1] =	stream.linear.gather [hbm4b:s28+s3], $0x100, $0x38;
	[tilespmem:$0x1C100] =	vst v63  }
0x4a: {  	_ =	swait.ge [sflag:s23], $0x100  }
0x4b: {  	[sflag:s23] =	ssyncset.done $0x0  }
0x4c: {  	[sflag:s23] =	ssyncadd.s32 $0xFFFFFF00  }
0x4d: {  	[tilespmem:s22], [sflag:$0x1] =	stream.linear.gather [hbm4b:s26+s3], $0x8000, $0x38;
	[tilespmem:$0x1C100] =	vst v63  }
0x4e: {  	_ =	swait.ge [sflag:s23], $0x8000  }
0x4f: {  	[sflag:s23] =	ssyncset.done $0x0  }
0x50: {  	[sflag:s23] =	ssyncadd.s32 $0xFFFF8000  }
0x51: {  	[spmem:s2] =	stream.indirect.scatter.add.f32 [tilespmem:s22], [sflag:$0x1], $0x80, s3, s22, $0xb8;
	[tilespmem:$0x1C100] =	vst v63  }
0x52: {  	_ =	swait.ge [sflag:s23], $0x8000  }
0x53: {  	[sflag:s23] =	ssyncset.done $0x0  }
0x54: {  	[sflag:s23] =	ssyncadd.s32 $0xFFFF8000  }
0x55: {  	[bflag:$0x0] =	sbarrier.arrive $0xFFFF  }
0x56: {  	[tilespmem:s22], [sflag:$0x2] =	stream.linear.gather [spmem:s5], $0x4000, $0x38;
	[tilespmem:$0x1C100] =	vst v63  }
0x57: {  	_ =	swait.ge [sflag:s24], $0x4000  }
0x58: {  	s26 =	simm.s32 $0x2;
	[sflag:s24] =	ssyncset.done $0x0  }
0x59: {  	s26 =	simm.s32 @!p0 $0x1;
	[sflag:s24] =	ssyncadd.s32 $0xFFFFC000  }
0x5a: {  	[hbm4b:s15+s3] =	stream.linear.scatter [tilespmem:s22], [sflag:s26], $0x4000, $0x38;
	[tilespmem:$0x1C100] =	vst v63  }
0x5b: {  	_ =	swait.ge [sflag:s26], $0x4000  }
0x5c: {  	[sflag:s26] =	ssyncset.done $0x0  }
0x5d: {  	[sflag:s26] =	ssyncadd.s32 $0xFFFFC000  }
0x5e: {  	[tilespmem:s22], [sflag:$0x2] =	stream.linear.gather [spmem:s11], $0x4000, $0x38;
	[tilespmem:$0x1C100] =	vst v63  }
0x5f: {  	_ =	swait.ge [sflag:s24], $0x4000  }
0x60: {  	[sflag:s24] =	ssyncset.done $0x0  }
0x61: {  	[sflag:s24] =	ssyncadd.s32 $0xFFFFC000  }
0x62: {  	[hbm4b:s16+s3] =	stream.linear.scatter [tilespmem:s22], [sflag:s26], $0x4000, $0x38;
	[tilespmem:$0x1C100] =	vst v63  }
0x63: {  	_ =	swait.ge [sflag:s26], $0x4000  }
0x64: {  	[sflag:s26] =	ssyncset.done $0x0  }
0x65: {  	[sflag:s26] =	ssyncadd.s32 $0xFFFFC000  }
0x66: {  	[tilespmem:s22], [sflag:$0x2] =	stream.linear.gather [spmem:s12], $0x4000, $0x38;
	[tilespmem:$0x1C100] =	vst v63  }
0x67: {  	_ =	swait.ge [sflag:s24], $0x4000  }
0x68: {  	[sflag:s24] =	ssyncset.done $0x0  }
0x69: {  	[sflag:s24] =	ssyncadd.s32 $0xFFFFC000  }
0x6a: {  	[hbm4b:s17+s3] =	stream.linear.scatter [tilespmem:s22], [sflag:s26], $0x4000, $0x38;
	[tilespmem:$0x1C100] =	vst v63  }
0x6b: {  	_ =	swait.ge [sflag:s26], $0x4000  }
0x6c: {  	[sflag:s26] =	ssyncset.done $0x0  }
0x6d: {  	[sflag:s26] =	ssyncadd.s32 $0xFFFFC000  }
0x6e: {  	[tilespmem:s22], [sflag:$0x2] =	stream.linear.gather [spmem:s13], $0x4000, $0x38;
	[tilespmem:$0x1C100] =	vst v63  }
0x6f: {  	_ =	swait.ge [sflag:s24], $0x4000  }
0x70: {  	[sflag:s24] =	ssyncset.done $0x0  }
0x71: {  	[sflag:s24] =	ssyncadd.s32 $0xFFFFC000  }
0x72: {  	[hbm4b:s18+s3] =	stream.linear.scatter [tilespmem:s22], [sflag:s26], $0x4000, $0x38;
	[tilespmem:$0x1C100] =	vst v63  }
0x73: {  	_ =	swait.ge [sflag:s26], $0x4000  }
0x74: {  	[sflag:s26] =	ssyncset.done $0x0  }
0x75: {  	[sflag:s26] =	ssyncadd.s32 $0xFFFFC000  }
0x76: {  	[tilespmem:s22], [sflag:$0x2] =	stream.linear.gather [spmem:s14], $0x4000, $0x38;
	[tilespmem:$0x1C100] =	vst v63  }
0x77: {  	s25 =	sadd.s32 $0x1, s25;
	_ =	swait.ge [sflag:s24], $0x4000  }
0x78: {  	p1 =	sne.s32 s25, s10;
	[sflag:s24] =	ssyncset.done $0x0  }
.Ltmp1:
0x79: {  	[sflag:s24] =	ssyncadd.s32 $0xFFFFC000;
	(pc) =	sbr.rel @p1 .LBB2_1-.Ltmp1, $4  }
0x7a: {  	[hbm4b:s19+s3] =	stream.linear.scatter [tilespmem:s22], [sflag:s26], $0x4000, $0x38;
	[tilespmem:$0x1C100] =	vst v63  }
0x7b: {  	_ =	swait.ge [sflag:s26], $0x4000  }
0x7c: {  	[sflag:s26] =	ssyncset.done $0x0  }
0x7d: {  	[sflag:s26] =	ssyncadd.s32 $0xFFFFC000  }
0x7e: {  	_ =	sfence.sel $0x180000  }
0x7f: {  	[bflag:$0x0] =	sbarrier.arrive $0xFFFF  }
0x80: {  	p0 =	sne.s32 s1, $0x0;
	_ =	strace $0x9000004A  }
0x81: {  	s0 =	sadd.s32 @!p0 $0x100000, s0;
	[bflag:$0x2] =	sbarrier.arrive $0xFFFF  }
0x82: {  	[sflag:s0] =	ssyncadd.tile.s32 @!p0 $0x1;
	_ =	shalt  }
.Lfunc_end2:
_tile_overlayer_lowered:
.L_overlay_start_2:
0x83: {  	(tag) =	ssettag $0x2  }
0x84: {  	s0 =	rddreg [dreg:$0x0];
	s2 =	stileid.u32  }
0x85: {  	s1 =	rddreg [dreg:$0x1];
	p0 =	sne.s32 s2, $0x0  }
0x86: {  	s3 =	rddreg [dreg:$0x2];
	[bflag:$0x3] =	sbarrier.arrive $0xFFFF;
	s2 =	simm.s32 @!p0 $0x1C01  }
0x87: {  	[timem:s3], [sflag:s2] =	dma.local @!p0 [hbm:s0], s1  }
0x88: {  	s0 =	simm.s32 @!p0 $0x1  }
0x89: {  	_ =	swait.ge @!p0 [sflag:s0], s1  }
0x8a: {  	s1 =	ssub.s32 @!p0 $0x0, s1;
	[sflag:s0] =	ssyncset.done @!p0 $0x0  }
0x8b: {  	[sflag:s0] =	ssyncadd.s32 @!p0 s1  }
0x8c: {  	[bflag:$0x3] =	sbarrier.arrive $0xFFFF  }
0x8d: {  	_ =	shalt  }

// kernel: kernel.7.cloned.1.call-start
scs
__scs_entry_jumppad:
0x0: {  	(pc) =	sbr.rel $0x88, $3  }
0x1: {  	(tag) =	ssettag $0x0;
	lr =	simm.s32 $0x1  }
0x2: {  	[smem:$0x3F91] =	sst lr;
	_ =	strace $0xD0000000  }
0x3: {  	_ = 	snop  }
0x4: {  	_ = 	snop  }
0x5: {  	_ = 	snop  }
0x6: {  	_ = 	snop  }
0x7: {  	_ = 	snop  }
__scs_overlays_trampoline_lowered:
0x8: {  	[smem:$0x3FA0] =	sst s0  }
0x9: {  	[smem:$0x3FA1] =	sst s1  }
0xa: {  	[smem:$0x3FA2] =	sst s2  }
0xb: {  	[smem:$0x3FA3] =	sst s3  }
0xc: {  	[smem:$0x3FA4] =	sst s4  }
0xd: {  	[smem:$0x3FA5] =	sst s5  }
0xe: {  	[smem:$0x3FA6] =	sst s6  }
0xf: {  	[smem:$0x3FA7] =	sst s7  }
0x10: {  	[smem:$0x3FA8] =	sst s8  }
0x11: {  	[smem:$0x3FA9] =	sst s9;
	s0 =	simm.s32 @!p0 $0x0  }
0x12: {  	s1 =	sld [smem:$0x3F8F];
	s0 =	simm.s32 @p0 $0x1  }
0x13: {  	[smem:$0x3FAA] =	sst s0;
	s0 =	simm.s32 @!p1 $0x0  }
0x14: {  	s2 =	sld [smem:$0x3F8E];
	s0 =	simm.s32 @p1 $0x1  }
0x15: {  	[smem:$0x3FAB] =	sst s0;
	s0 =	simm.s32 @!p2 $0x0  }
0x16: {  	s3 =	sld [smem:$0x3FDB];
	s0 =	simm.s32 @p2 $0x1  }
0x17: {  	s4 =	simm.s32 $0x1BF5;
	[smem:$0x3FAD] =	sst s0  }
0x18: {  	s0 =	sld [smem:$0x3F90];
	_ =	swait.ge [sflag:s4], $0x0  }
0x19: {  	s7 =	sld [smem:$0x3F91]  }
0x1a: {  	s8 =	sadd.s32 $0xFFFFE003, lr  }
0x1b: {  	s9 =	sadd.s32 $0xFFFFFEF7, lr;
	s5 =	simm.s32 $0xFFFFFFFF;
	p2 =	slt.u32 s8, $0xFFFFF086  }
0x1c: {  	p1 =	slt.u32 s9, $0xF7A;
	s5 =	simm.s32 @!p2 $0x0  }
0x1d: {  	s5 =	simm.s32 @p1 $0x1;
	p0 =	seq.s32 s7, s2  }
0x1e: {  	s7 =	smul.u32 @!p0 $0xF7A, s2;
	p2 =	seq.s32 @!p0 s5, $0x0  }
0x1f: {  	s9 =	smul.u32 $0xF7A, s1;
	s8 =	simm.s32 @!p0 $0x1BF5;
	p2 =	por !p2, p0  }
0x20: {  	[sflag:s8] =	ssyncset.s32 @!p0 $0xFFFFF086;
	s6 =	sadd.s32 @!p0 s3, s7;
	s7 =	simm.s32 @!p0 $0x108  }
0x21: {  	s3 =	sadd.s32 s3, s9;
	s6 =	sadd.s32 @!p0 $0x88, s6;
	s7 =	simm.s32 @p2 $0x1082  }
0x22: {  	[simem:s7], [sflag:s8] =	dma.local @!p0 [hbm:s6], $0xF7A  }
0x23: {  	s9 =	sor.u32 $0xD0000000, s2;
	s6 =	simm.s32 $0x108;
	_ =	swait.ge @!p0 [sflag:s8], $0x0  }
0x24: {  	s3 =	sadd.s32 $0x88, s3;
	s6 =	simm.s32 @!p1 $0x1082;
	[sflag:s4] =	ssyncset.s32 $0xFFFFF086  }
0x25: {  	[simem:s6], [sflag:s4] =	dma.local [hbm:s3], $0xF7A  }
0x26: {  	[smem:$0x3F91] =	sst s1;
	(tag) =	ssettag s2;
	_ =	strace s9  }
0x27: {  	s1 =	sld [smem:$0x3FA1]  }
0x28: {  	s2 =	sld [smem:$0x3FA2]  }
0x29: {  	s4 =	sld [smem:$0x3FA4]  }
0x2a: {  	p0 =	seq.s32 s5, $0x0;
	s5 =	sld [smem:$0x3FA5]  }
0x2b: {  	s6 =	sld [smem:$0x3FA6]  }
0x2c: {  	s7 =	sld [smem:$0x3FA7]  }
0x2d: {  	s3 =	simm.s32 $0x108;
	s8 =	sld [smem:$0x3FA8]  }
0x2e: {  	s3 =	simm.s32 @!p0 $0x1082;
	s9 =	sld [smem:$0x3FA9]  }
0x2f: {  	lr =	sadd.s32 s0, s3;
	s0 =	sld [smem:$0x3FA0]  }
0x30: {  	s3 =	sld [smem:$0x3FA3]  }
0x31: {  	[smem:$0x3FAC] =	sst s10  }
0x32: {  	s10 =	sld [smem:$0x3FAA];
	_ =	sdelay $0x3  }
0x33: {  	p0 =	seq.s32 s10, $0x1;
	s10 =	sld [smem:$0x3FAC];
	_ =	sdelay $0x3  }
0x34: {  	[smem:$0x3FAC] =	sst s10  }
0x35: {  	s10 =	sld [smem:$0x3FAB];
	_ =	sdelay $0x3  }
0x36: {  	p1 =	seq.s32 s10, $0x1;
	s10 =	sld [smem:$0x3FAC];
	_ =	sdelay $0x3  }
0x37: {  	[smem:$0x3FAC] =	sst s10  }
0x38: {  	s10 =	sld [smem:$0x3FAD]  }
0x39: {  	_ = 	snop;
	(pc) =	sbr.ind lr, $3  }
0x3a: {  	_ = 	snop  }
0x3b: {  	_ = 	snop  }
0x3c: {  	p2 =	seq.s32 s10, $0x1;
	s10 =	sld [smem:$0x3FAC]  }
0x3d: {  	_ =	shalt  }
0x3e: {  	_ =	shalt  }
0x3f: {  	_ =	shalt  }
0x40: {  	_ =	shalt  }
0x41: {  	_ =	shalt  }
0x42: {  	_ =	shalt  }
0x43: {  	_ =	shalt  }
0x44: {  	_ =	shalt  }
0x45: {  	_ =	shalt  }
0x46: {  	_ =	shalt  }
0x47: {  	_ =	shalt  }
0x48: {  	_ =	shalt  }
0x49: {  	_ =	shalt  }
0x4a: {  	_ =	shalt  }
0x4b: {  	_ =	shalt  }
0x4c: {  	_ =	shalt  }
0x4d: {  	_ =	shalt  }
0x4e: {  	_ =	shalt  }
0x4f: {  	_ =	shalt  }
0x50: {  	_ =	shalt  }
0x51: {  	_ =	shalt  }
0x52: {  	_ =	shalt  }
0x53: {  	_ =	shalt  }
0x54: {  	_ =	shalt  }
0x55: {  	_ =	shalt  }
0x56: {  	_ =	shalt  }
0x57: {  	_ =	shalt  }
0x58: {  	_ =	shalt  }
0x59: {  	_ =	shalt  }
0x5a: {  	_ =	shalt  }
0x5b: {  	_ =	shalt  }
0x5c: {  	_ =	shalt  }
0x5d: {  	_ =	shalt  }
0x5e: {  	_ =	shalt  }
0x5f: {  	_ =	shalt  }
0x60: {  	_ =	shalt  }
0x61: {  	_ =	shalt  }
0x62: {  	_ =	shalt  }
0x63: {  	_ =	shalt  }
0x64: {  	_ =	shalt  }
0x65: {  	_ =	shalt  }
0x66: {  	_ =	shalt  }
0x67: {  	_ =	shalt  }
0x68: {  	_ =	shalt  }
0x69: {  	_ =	shalt  }
0x6a: {  	_ =	shalt  }
0x6b: {  	_ =	shalt  }
0x6c: {  	_ =	shalt  }
0x6d: {  	_ =	shalt  }
0x6e: {  	_ =	shalt  }
0x6f: {  	_ =	shalt  }
0x70: {  	_ =	shalt  }
0x71: {  	_ =	shalt  }
0x72: {  	_ =	shalt  }
0x73: {  	_ =	shalt  }
0x74: {  	_ =	shalt  }
0x75: {  	_ =	shalt  }
0x76: {  	_ =	shalt  }
0x77: {  	_ =	shalt  }
0x78: {  	_ =	shalt  }
0x79: {  	_ =	shalt  }
0x7a: {  	_ =	shalt  }
0x7b: {  	_ =	shalt  }
0x7c: {  	_ =	shalt  }
0x7d: {  	_ =	shalt  }
0x7e: {  	_ =	shalt  }
0x7f: {  	_ =	shalt  }
0x80: {  	_ =	shalt  }
0x81: {  	_ =	shalt  }
0x82: {  	_ =	shalt  }
0x83: {  	_ =	shalt  }
0x84: {  	_ =	shalt  }
0x85: {  	_ =	shalt  }
0x86: {  	_ =	shalt  }
0x87: {  	_ =	shalt  }
.Lfunc_end0:
.L_simem_size_0:
called_computation_lowered:
.L_overlay_start_0:
0x88: {  	s2 =	sld [smem:$0x3FD9]  }
0x89: {  	s3 =	sld [smem:$0x3FFE];
	_ =	sdelay $0x1  }
0x8a: {  	s1 =	srdreg.scid  }
0x8b: {  	s0 =	sand.u32 $0x1, s1  }
0x8c: {  	s17 =	sshll.u32 s0, $0xA;
	s2 =	sadd.s32 s3, s2  }
0x8d: {  	s2 =	sadd.s32 s2, s17  }
0x8e: {  	[smem:$0x3FB8] =	sst s2  }
0x8f: {  	_ = 	snop  }
0x90: {  	s2 =	sld [smem:$0x3FD0];
	(tm) =	ssettm $0x1  }
0x91: {  	s18 =	sld [smem:$0x3FFB];
	_ =	sdelay $0x3  }
0x92: {  	_ =	strace s18  }
0x93: {  	s3 =	sld [smem:$0x3FFC];
	_ =	sdelay $0x3  }
0x94: {  	_ =	strace s3  }
0x95: {  	s3 =	sld [smem:$0x3FFD];
	_ =	sdelay $0x3  }
0x96: {  	_ =	strace s3  }
0x97: {  	_ =	strace $0x8FFFFFFF  }
0x98: {  	s19 =	sld [smem:$0x3FDB];
	_ =	sdelay $0x1  }
0x99: {  	s4 =	simm.s32 $_scs_section_size  }
0x9a: {  	s5 =	simm.s32 $_size__tile_overlayer_lowered;
	s6 =	simm.s32 $_tile_overlayer_lowered  }
0x9b: {  	s22 =	simm.s32 $0x1BFF;
	s21 =	sshll.u32 s6, $0x1;
	s3 =	sadd.s32 s4, s19  }
0x9c: {  	s7 =	simm.s32 $0x0;
	s20 =	sshll.u32 s5, $0x1;
	s5 =	sadd.s32 s21, s3  }
0x9d: {  	[timem:s7], [sflag:s22] =	dma.local [hbm:s5], s20  }
0x9e: {  	_ =	swait.ge [sflag:s22], s20  }
0x9f: {  	s4 =	ssub.s32 $0x0, s20;
	[sflag:s22] =	ssyncset.done $0x0  }
0xa0: {  	[sflag:s22] =	ssyncadd.s32 s4;
	_ =	sdelay $0x1  }
0xa1: {  	s23 =	simm.s32 $0x1B8B  }
0xa2: {  	_ =	swait.ge [sflag:s23], $0x1  }
0xa3: {  	[sflag:s23] =	ssyncset.done $0x0  }
0xa4: {  	s25 =	simm.s32 $0x1B8E;
	s24 =	sld [smem:$0x3FFE];
	[sflag:s23] =	ssyncadd.s32 $0xFFFFFFFF  }
0xa5: {  	s26 =	simm.s32 $execute0_lowered;
	[smem:$0x3FD2] =	sst s25  }
0xa6: {  	s5 =	sshll.u32 s26, $0x1;
	_ =	strace $0x80000046;
	[dreg:$0x1] =	wrdreg $0xFFFFFFFF  }
0xa7: {  	s28 =	simm.s32 $_size_execute0_lowered;
	s3 =	sadd.s32 s3, s5;
	[dreg:$0x0] =	wrdreg $0x0  }
0xa8: {  	s5 =	sshll.u32 s28, $0x1;
	[dreg:$0x2] =	wrdreg s3  }
0xa9: {  	[dreg:$0x3] =	wrdreg s5  }
0xaa: {  	[dreg:$0x4] =	wrdreg $0xC0  }
0xab: {  	_ =	task [dreg:s7], $0x5FFFF  }
0xac: {  	[dreg:$0x1] =	wrdreg $0xFFFFFFFF  }
0xad: {  	[dreg:$0x0] =	wrdreg $0x60  }
0xae: {  	[dreg:$0x2] =	wrdreg s2  }
0xaf: {  	[dreg:$0x3] =	wrdreg s24  }
0xb0: {  	[dreg:$0x4] =	wrdreg $0x9  }
0xb1: {  	_ =	task.clear_ibuf [dreg:s7], $0x5FFFF;
	_ =	strace $0x90000046  }
0xb2: {  	s29 =	simm.s32 $0x9;
	_ =	strace $0x80000048  }
0xb3: {  	_ =	swait.ge [sflag:s29], $0x1  }
0xb4: {  	[sflag:s29] =	ssyncadd.s32 $0xFFFFFFFF  }
0xb5: {  	_ =	strace $0x90000048  }
0xb6: {  	_ =	sfence  }
0xb7: {  	s30 =	sld [smem:$0x0];
	_ =	sdelay $0x2  }
0xb8: {  	s31 =	sshll.u32 s1, $0xD;
	s1 =	sshrl.u32 s1, $0x2  }
0xb9: {  	s3 =	sand.u32 $0x4000, s31;
	s1 =	sadd.s32 s1, s30  }
0xba: {  	s0 =	sor.u32 s3, s0;
	s1 =	sshll.u32 s1, $0x11  }
0xbb: {  	s0 =	sor.u32 s1, s0  }
0xbc: {  	s0 =	sadd.s32 $0x8F2B, s0  }
0xbd: {  	[sflag:s0] =	ssyncadd.remote.s32 $0x1  }
0xbe: {  	_ =	sfence.sel $0xFFFF  }
0xbf: {  	[dreg:$0x0] =	wrdreg $0xFFFFFFFF;
	(pc) =	sbr.abs _section_cstart, $3  }
0xc0: {  	[dreg:$0x1] =	wrdreg $0xFFFFFFFF  }
0xc1: {  	_ =	task.clear_ibuf [dreg:s7], $0x2FFFF;
	_ =	strace $0x9FFFFFFF  }
0xc2: {  	(tm) =	ssettm $0x7FFFFFFF  }
0xc3: {  	_ =	shalt  }
tec
execute0_lowered:
.L_overlay_start_1:
0x0: {  	(tag) =	ssettag $0x1  }
0x1: {  	s1 =	srdreg.scid  }
0x2: {  	s0 =	stileid.u32;
	s11 =	rddreg [dreg:$0x0]  }
0x3: {  	s6 =	rddreg [dreg:$0x1];
	s2 =	simm.s32 $0x0;
	s14 =	simm.s32 $0x100  }
0x4: {  	s15 =	simm.s32 $0x4100;
	s16 =	simm.s32 $0x8100;
	s17 =	simm.s32 $0x1  }
0x5: {  	s18 =	simm.s32 $0x2;
	s19 =	simm.s32 $0x3;
	s3 =	smul.u32 $0x5100, s0  }
0x6: {  	s4 =	sand.u32 $0x1, s1;
	s1 =	rddreg [dreg:$0x2];
	s30 =	smul.u32 $0x51000, s0  }
0x7: {  	s20 =	simm.s32 $0x0;
	[smem:$0x7FF] =	sst s2;
	s5 =	smul.u32 $0x2880, s4  }
0x8: {  	_ =	strace $0x80000047;
	s7 =	ssub.s32 $0x2, s4;
	s8 =	smul.u32 $0x28800, s4  }
0x9: {  	s4 =	sadd.s32 $0x5DA00, s6;
	s9 =	sadd.s32 s30, s6;
	s13 =	sshrl.u32 s7, $0x1  }
0xa: {  	s3 =	sadd.s32 s5, s3;
	s5 =	sadd.s32 $0x85A00, s6;
	s31 =	ssub.s32 s7, s13  }
0xb: {  	s9 =	sadd.s32 s8, s9;
	s13 =	simm.s32 $0x80;
	s12 =	sshrl.u32 s3, $0x3  }
0xc: {  	s3 =	sadd.s32 $0x2B800, s6;
	s7 =	sadd.s32 $0xADA00, s9;
	s8 =	sadd.s32 $0x5BDA00, s9  }
0xd: {  	s9 =	sadd.s32 $0xACDA00, s9;
	s10 =	sadd.s32 s12, s6;
	s6 =	smax.u32 s31, $0x1  }
0xe: {  	s11 =	sadd.s32 s12, s11;
	s12 =	simm.s32 $0x4;
	s10 =	sadd.s32 $0x53800, s10  }
.LBB2_1:
0xf: {  	[tilespmem:s2], [sflag:$0x4] =	stream.linear.gather [hbm4b:s11+s2], $0x80, $0x38;
	[tilespmem:$0xC100] =	vst v63  }
0x10: {  	_ =	swait.ge [sflag:s12], $0x80  }
0x11: {  	[sflag:s12] =	ssyncset.done $0x0  }
0x12: {  	[sflag:s12] =	ssyncadd.s32 $0xFFFFFF80  }
0x13: {  	[tilespmem:s13], [sflag:$0x4] =	stream.linear.gather [hbm4b:s10+s2], $0x80, $0x38;
	[tilespmem:$0xC100] =	vst v63  }
0x14: {  	_ =	swait.ge [sflag:s12], $0x80  }
0x15: {  	[sflag:s12] =	ssyncset.done $0x0  }
0x16: {  	[sflag:s12] =	ssyncadd.s32 $0xFFFFFF80  }
0x17: {  	[tilespmem:s14], [sflag:$0x1] =	stream.indirect.gather [hbm4b:s3+s13], $0x80, s2, s13, $0xb8;
	[tilespmem:$0xC100] =	vst v63  }
0x18: {  	_ = 	snop  }
0x19: {  	[tilespmem:s15], [sflag:$0x2] =	stream.indirect.gather [hbm4b:s4+s13], $0x80, s13, s13, $0xb8;
	[tilespmem:$0xC100] =	vst v63  }
0x1a: {  	_ = 	snop  }
0x1b: {  	[tilespmem:s16], [sflag:$0x3] =	stream.indirect.gather [hbm4b:s5+s13], $0x80, s13, s13, $0xb8;
	[tilespmem:$0xC100] =	vst v63  }
0x1c: {  	_ =	swait.ge [sflag:s17], $0x4000  }
0x1d: {  	[sflag:s17] =	ssyncset.done $0x0  }
0x1e: {  	[sflag:s17] =	ssyncadd.s32 $0xFFFFC000  }
0x1f: {  	_ =	swait.ge [sflag:s18], $0x4000  }
0x20: {  	[sflag:s18] =	ssyncset.done $0x0  }
0x21: {  	[sflag:s18] =	ssyncadd.s32 $0xFFFFC000  }
0x22: {  	_ =	swait.ge [sflag:s19], $0x4000  }
0x23: {  	[sflag:s19] =	ssyncset.done $0x0  }
0x24: {  	s21 =	sadd.s32 $0x0, s7;
	[sflag:s19] =	ssyncadd.s32 $0xFFFFC000  }
0x25: {  	[hbm4b:s21+s2] =	stream.linear.scatter [tilespmem:s14], [sflag:$0x4], $0x4000, $0x38;
	[tilespmem:$0xC100] =	vst v63  }
0x26: {  	_ =	swait.ge [sflag:s12], $0x4000  }
0x27: {  	[sflag:s12] =	ssyncset.done $0x0  }
0x28: {  	s30 =	sadd.s32 $0x0, s8;
	[sflag:s12] =	ssyncadd.s32 $0xFFFFC000  }
0x29: {  	[hbm4b:s30+s2] =	stream.linear.scatter [tilespmem:s15], [sflag:$0x4], $0x4000, $0x38;
	[tilespmem:$0xC100] =	vst v63  }
0x2a: {  	_ =	swait.ge [sflag:s12], $0x4000  }
0x2b: {  	[sflag:s12] =	ssyncset.done $0x0  }
0x2c: {  	s31 =	sadd.s32 $0x0, s9;
	[sflag:s12] =	ssyncadd.s32 $0xFFFFC000  }
0x2d: {  	[hbm4b:s31+s2] =	stream.linear.scatter [tilespmem:s16], [sflag:$0x4], $0x4000, $0x38;
	[tilespmem:$0xC100] =	vst v63  }
0x2e: {  	s22 =	smov.u32 s10;
	_ =	swait.ge [sflag:s12], $0x4000  }
0x2f: {  	s23 =	smov.u32 s11;
	s21 =	simm.s32 $0x800;
	[sflag:s12] =	ssyncset.done $0x0  }
.LBB2_2:
0x30: {  	[sflag:s12] =	ssyncadd.s32 $0xFFFFC000  }
0x31: {  	s22 =	sadd.s32 $0x10, s22;
	s23 =	sadd.s32 $0x10, s23;
	s24 =	smov.u32 s21  }
0x32: {  	[tilespmem:s2], [sflag:$0x4] =	stream.linear.gather [hbm4b:s23+s2], $0x80, $0x38;
	[tilespmem:$0xC100] =	vst v63  }
0x33: {  	p0 =	sne.s32 s21, $0x28000;
	s21 =	sadd.s32 $0x800, s21;
	_ =	swait.ge [sflag:s12], $0x80  }
0x34: {  	[sflag:s12] =	ssyncset.done $0x0  }
0x35: {  	[sflag:s12] =	ssyncadd.s32 $0xFFFFFF80  }
0x36: {  	[tilespmem:s13], [sflag:$0x4] =	stream.linear.gather [hbm4b:s22+s2], $0x80, $0x38;
	[tilespmem:$0xC100] =	vst v63  }
0x37: {  	_ =	swait.ge [sflag:s12], $0x80  }
0x38: {  	[sflag:s12] =	ssyncset.done $0x0  }
0x39: {  	[sflag:s12] =	ssyncadd.s32 $0xFFFFFF80  }
0x3a: {  	[tilespmem:s14], [sflag:$0x1] =	stream.indirect.gather [hbm4b:s3+s13], $0x80, s2, s13, $0xb8;
	[tilespmem:$0xC100] =	vst v63  }
0x3b: {  	_ = 	snop  }
0x3c: {  	[tilespmem:s15], [sflag:$0x2] =	stream.indirect.gather [hbm4b:s4+s13], $0x80, s13, s13, $0xb8;
	[tilespmem:$0xC100] =	vst v63  }
0x3d: {  	_ = 	snop  }
0x3e: {  	[tilespmem:s16], [sflag:$0x3] =	stream.indirect.gather [hbm4b:s5+s13], $0x80, s13, s13, $0xb8;
	[tilespmem:$0xC100] =	vst v63  }
0x3f: {  	_ =	swait.ge [sflag:s17], $0x4000  }
0x40: {  	[sflag:s17] =	ssyncset.done $0x0  }
0x41: {  	[sflag:s17] =	ssyncadd.s32 $0xFFFFC000  }
0x42: {  	_ =	swait.ge [sflag:s18], $0x4000  }
0x43: {  	[sflag:s18] =	ssyncset.done $0x0  }
0x44: {  	[sflag:s18] =	ssyncadd.s32 $0xFFFFC000  }
0x45: {  	_ =	swait.ge [sflag:s19], $0x4000  }
0x46: {  	[sflag:s19] =	ssyncset.done $0x0  }
0x47: {  	s25 =	sadd.s32 s24, s7;
	[sflag:s19] =	ssyncadd.s32 $0xFFFFC000  }
0x48: {  	[hbm4b:s25+s2] =	stream.linear.scatter [tilespmem:s14], [sflag:$0x4], $0x4000, $0x38;
	[tilespmem:$0xC100] =	vst v63  }
0x49: {  	_ =	swait.ge [sflag:s12], $0x4000  }
0x4a: {  	[sflag:s12] =	ssyncset.done $0x0  }
0x4b: {  	s25 =	sadd.s32 s24, s8;
	[sflag:s12] =	ssyncadd.s32 $0xFFFFC000  }
0x4c: {  	[hbm4b:s25+s2] =	stream.linear.scatter [tilespmem:s15], [sflag:$0x4], $0x4000, $0x38;
	[tilespmem:$0xC100] =	vst v63  }
0x4d: {  	_ =	swait.ge [sflag:s12], $0x4000  }
.Ltmp0:
0x4e: {  	[sflag:s12] =	ssyncset.done $0x0;
	(pc) =	sbr.rel @p0 .LBB2_2-.Ltmp0, $4  }
0x4f: {  	s24 =	sadd.s32 s24, s9;
	[sflag:s12] =	ssyncadd.s32 $0xFFFFC000  }
0x50: {  	[hbm4b:s24+s2] =	stream.linear.scatter [tilespmem:s16], [sflag:$0x4], $0x4000, $0x38;
	[tilespmem:$0xC100] =	vst v63  }
0x51: {  	_ =	swait.ge [sflag:s12], $0x4000  }
0x52: {  	[sflag:s12] =	ssyncset.done $0x0  }
0x53: {  	s20 =	sadd.s32 $0x1, s20  }
0x54: {  	p0 =	sne.s32 s20, s6  }
.Ltmp1:
0x55: {  	_ = 	snop;
	(pc) =	sbr.rel @p0 .LBB2_1-.Ltmp1, $2  }
0x56: {  	_ =	sdelay $0x2  }
0x57: {  	[sflag:s12] =	ssyncadd.s32 $0xFFFFC000  }
0x58: {  	_ =	sfence.sel $0x180000  }
0x59: {  	[bflag:$0x0] =	sbarrier.arrive $0xFFFF  }
0x5a: {  	p0 =	sne.s32 s0, $0x0;
	_ =	strace $0x90000047  }
0x5b: {  	s0 =	sadd.s32 @!p0 $0x100000, s1;
	[bflag:$0x2] =	sbarrier.arrive $0xFFFF  }
0x5c: {  	[sflag:s0] =	ssyncadd.tile.s32 @!p0 $0x1;
	_ =	shalt  }
.Lfunc_end2:
_tile_overlayer_lowered:
.L_overlay_start_2:
0x5d: {  	(tag) =	ssettag $0x2  }
0x5e: {  	s0 =	rddreg [dreg:$0x0];
	s2 =	stileid.u32  }
0x5f: {  	s1 =	rddreg [dreg:$0x1];
	p0 =	sne.s32 s2, $0x0  }
0x60: {  	s3 =	rddreg [dreg:$0x2];
	[bflag:$0x3] =	sbarrier.arrive $0xFFFF;
	s2 =	simm.s32 @!p0 $0x1C04  }
0x61: {  	[timem:s3], [sflag:s2] =	dma.local @!p0 [hbm:s0], s1  }
0x62: {  	s0 =	simm.s32 @!p0 $0x4  }
0x63: {  	_ =	swait.ge @!p0 [sflag:s0], s1  }
0x64: {  	s1 =	ssub.s32 @!p0 $0x0, s1;
	[sflag:s0] =	ssyncset.done @!p0 $0x0  }
0x65: {  	[sflag:s0] =	ssyncadd.s32 @!p0 s1  }
0x66: {  	[bflag:$0x3] =	sbarrier.arrive $0xFFFF  }
0x67: {  	_ =	shalt  }

</sc_bundles>
